<compile_context>
chip_gen: v7x
topology: tpu7x:2x2x1
jax: 0.10.2.dev20260603
libtpu: 0.0.44.dev20260713+nightly
codegen_flags: <defaults>
</compile_context>

<pallas_src>
import functools

import jax
import jax.numpy as jnp
from jax import lax
from jax.experimental import pallas as pl
from jax.experimental.pallas import tpu as pltpu
from jax.experimental.pallas import tpu_sc as plsc

VOCAB = 100000
HIDDEN = 64
BATCH = 1024

_NUM_CORES = 2
_NUM_SUBCORES = 16
_NW = _NUM_CORES * _NUM_SUBCORES
_H_PER_TEC = HIDDEN // _NW
_ELEMS = _H_PER_TEC * BATCH
_N_GATHER = _ELEMS // 128

V_TILE = 3200
N_V = -(-VOCAB // V_TILE)


def _gather_body(tab_hbm, ids_hbm, out_hbm, ids_v, idx_v, rows_v, sem):
    wid = lax.axis_index("s") * _NUM_CORES + lax.axis_index("c")
    pltpu.sync_copy(ids_hbm, ids_v)
    h0 = wid * _H_PER_TEC
    for j in range(_ELEMS // 16):
        h = j // (BATCH // 16)
        i = j % (BATCH // 16)
        idx_v[pl.ds(j * 16, 16)] = ids_v[pl.ds(i * 16, 16)] + (h0 + h) * VOCAB
    copies = [
        pltpu.async_copy(
            tab_hbm.at[idx_v.at[pl.ds(g * 128, 128)]],
            rows_v.at[pl.ds(g * 128, 128)],
            sem,
        )
        for g in range(_N_GATHER)
    ]
    for c in copies:
        c.wait()
    pltpu.sync_copy(rows_v, out_hbm.at[pl.ds(wid * _ELEMS, _ELEMS)])


@functools.cache
def _sc_gather():
    return pl.kernel(
        _gather_body,
        out_type=jax.ShapeDtypeStruct((HIDDEN * BATCH,), jnp.float32),
        mesh=plsc.VectorSubcoreMesh(core_axis_name="c", subcore_axis_name="s"),
        scratch_types=[
            pltpu.VMEM((BATCH,), jnp.int32),
            pltpu.VMEM((_ELEMS,), jnp.int32),
            pltpu.VMEM((_ELEMS,), jnp.float32),
            pltpu.SemaphoreType.DMA,
        ],
        compiler_params=pltpu.CompilerParams(use_tc_tiling_on_sc=False),
    )


def _matmul_body(wt_ref, xt_ref, b_ref, out_ref):
    acc = lax.dot_general(
        wt_ref[...], xt_ref[...],
        dimension_numbers=(((0,), (0,)), ((), ())),
        preferred_element_type=jnp.float32,
    )
    out_ref[...] = acc + b_ref[...].T


def kernel(input_ids, emb_table, W, b):
    ids = input_ids.astype(jnp.int32)
    tab = emb_table.T.reshape(-1)
    xt = _sc_gather()(tab, ids).reshape(HIDDEN, BATCH)
    wt = W.T
    b2 = jnp.pad(b, (0, N_V * V_TILE - VOCAB)).reshape(1, N_V * V_TILE)
    out_t = pl.pallas_call(
        _matmul_body,
        grid=(N_V,),
        in_specs=[
            pl.BlockSpec((HIDDEN, V_TILE), lambda v: (0, v)),
            pl.BlockSpec((HIDDEN, BATCH), lambda v: (0, 0)),
            pl.BlockSpec((1, V_TILE), lambda v: (0, v)),
        ],
        out_specs=pl.BlockSpec((V_TILE, BATCH), lambda v: (v, 0)),
        out_shape=jax.ShapeDtypeStruct((VOCAB, BATCH), jnp.float32),
        compiler_params=pltpu.CompilerParams(
            dimension_semantics=("arbitrary",),
            vmem_limit_bytes=63 * 1024 * 1024,
        ),
    )(wt, xt, b2)
    return out_t.T

# --- scband reference (transcript-rebuilt; emitter-appended) ---
"""Pipeline reference for scband-dummy-model-21869973471615 (READ-ONLY COPY).

The authoritative reference and input builder live on the scoring server;
editing this copy changes nothing except your own understanding.
"""

import jax, jax.numpy as jnp
import numpy as np

VOCAB = 100000
HIDDEN = 64
BATCH = 1024


def setup_inputs(seed: int = 0) -> dict:
    key = jax.random.key(seed)
    k_ids, k_emb, k_w, k_b = jax.random.split(key, 4)
    input_ids = jax.random.randint(k_ids, (BATCH,), 0, VOCAB, dtype=jnp.int64 if jax.config.jax_enable_x64 else jnp.int32)
    emb_table = jax.random.normal(k_emb, (VOCAB, HIDDEN), dtype=jnp.float32)
    # torch.nn.Linear(hidden, vocab): weight [vocab, hidden], bias [vocab]
    lim = 1.0 / np.sqrt(HIDDEN)
    W = jax.random.uniform(k_w, (VOCAB, HIDDEN), dtype=jnp.float32, minval=-lim, maxval=lim)
    b = jax.random.uniform(k_b, (VOCAB,), dtype=jnp.float32, minval=-lim, maxval=lim)
    return {"input_ids": input_ids, "emb_table": emb_table, "W": W, "b": b}


def reference(input_ids, emb_table, W, b):
    # x = embedding(input_ids)
    x = jnp.take(emb_table, input_ids, axis=0)  # [B, HIDDEN]
    # logits = linear(x) = x @ W.T + b
    logits = jnp.dot(x, W.T) + b  # [B, VOCAB]
    return logits

if __name__ == "__main__":
    import jax
    _d = setup_inputs()
    print(jax.jit(kernel)(*tuple(_d.values())))

</pallas_src>

<mosaic_0001>
#map = affine_map<(d0, d1) -> (0)>
module attributes {stable_mosaic.version = 14 : i64} {
  func.func @_gather_body(%arg0: i32, %arg1: i32, %arg2: memref<6400000xf32, #tpu.memory_space<hbm>>, %arg3: memref<1024xi32, #tpu.memory_space<hbm>>, %arg4: memref<65536xf32, #tpu.memory_space<hbm>>, %arg5: memref<1024xi32, #tpu.memory_space<vmem>>, %arg6: memref<2048xi32, #tpu.memory_space<vmem>>, %arg7: memref<2048xf32, #tpu.memory_space<vmem>>, %arg8: memref<!tpu.dma_semaphore, #tpu.memory_space<semaphore_mem>>) attributes {dimension_semantics = [#tpu.dimension_semantics<core_parallel>, #tpu.dimension_semantics<subcore_parallel>], iteration_bounds = array<i64: 2, 16>, scalar_prefetch = 0 : i64, scratch_operands = 4 : i64, tpu.core_type = #tpu.core_type<sc_vector_subcore>, window_params = [{transform_indices = #map}, {transform_indices = #map}, {transform_indices = #map}]} {
    %mul3A = arith.constant 2 : i32
    %mul3A_0 = arith.muli %arg1, %mul3A : i32
    %add3A = arith.addi %mul3A_0, %arg0 : i32
    "tpu.region"() ({
      %run_scoped3A = tpu.sem_alloc : memref<!tpu.dma_semaphore, #tpu.memory_space<semaphore_mem>>
      tpu.enqueue_dma source(%arg3 : memref<1024xi32, #tpu.memory_space<hbm>>) target(%arg5 : memref<1024xi32, #tpu.memory_space<vmem>>) target_semaphore(%run_scoped3A : memref<!tpu.dma_semaphore, #tpu.memory_space<semaphore_mem>>)
      tpu.wait_dma2 semaphore(%run_scoped3A : memref<!tpu.dma_semaphore, #tpu.memory_space<semaphore_mem>>) src(%arg3 : memref<1024xi32, #tpu.memory_space<hbm>>) dst(%arg5 : memref<1024xi32, #tpu.memory_space<vmem>>)
      tpu.yield
    }) : () -> ()
    %mul3A_1 = arith.constant 2 : i32
    %mul3A_2 = arith.muli %add3A, %mul3A_1 : i32
    %get3A = arith.constant 0 : index
    %get3A_3 = tpu.vector_load %arg5[%get3A] {strides = array<i32>} : memref<1024xi32, #tpu.memory_space<vmem>>, vector<16xi32>,
    %get3A_4 = vector.shape_cast %get3A_3 : vector<16xi32> to vector<16xi32>
    %add3A_5 = arith.constant 0 : i32
    %add3A_6 = arith.addi %mul3A_2, %add3A_5 : i32
    %mul3A_7 = arith.constant 100000 : i32
    %mul3A_8 = arith.muli %add3A_6, %mul3A_7 : i32
    %add3A_9 = vector.broadcast %mul3A_8 : i32 to vector<16xi32>
    %add3A_10 = arith.addi %get3A_4, %add3A_9 : vector<16xi32>
    %swap3A = arith.constant 0 : index
    %swap3A_11 = tpu.vector_load %arg6[%swap3A] {strides = array<i32>} : memref<2048xi32, #tpu.memory_space<vmem>>, vector<16xi32>,
    %swap3A_12 = vector.shape_cast %swap3A_11 : vector<16xi32> to vector<16xi32>
    %swap3A_13 = vector.shape_cast %add3A_10 : vector<16xi32> to vector<16xi32>
    tpu.vector_store %arg6[%swap3A], %swap3A_13 {strides = array<i32>} : memref<2048xi32, #tpu.memory_space<vmem>>, vector<16xi32>,
    %get3A_14 = arith.constant 16 : index
    %get3A_15 = tpu.vector_load %arg5[%get3A_14] {strides = array<i32>} : memref<1024xi32, #tpu.memory_space<vmem>>, vector<16xi32>,
    %get3A_16 = vector.shape_cast %get3A_15 : vector<16xi32> to vector<16xi32>
    %add3A_17 = arith.constant 0 : i32
    %add3A_18 = arith.addi %mul3A_2, %add3A_17 : i32
    %mul3A_19 = arith.constant 100000 : i32
    %mul3A_20 = arith.muli %add3A_18, %mul3A_19 : i32
    %add3A_21 = vector.broadcast %mul3A_20 : i32 to vector<16xi32>
    %add3A_22 = arith.addi %get3A_16, %add3A_21 : vector<16xi32>
    %swap3A_23 = arith.constant 16 : index
    %swap3A_24 = tpu.vector_load %arg6[%swap3A_23] {strides = array<i32>} : memref<2048xi32, #tpu.memory_space<vmem>>, vector<16xi32>,
    %swap3A_25 = vector.shape_cast %swap3A_24 : vector<16xi32> to vector<16xi32>
    %swap3A_26 = vector.shape_cast %add3A_22 : vector<16xi32> to vector<16xi32>
    tpu.vector_store %arg6[%swap3A_23], %swap3A_26 {strides = array<i32>} : memref<2048xi32, #tpu.memory_space<vmem>>, vector<16xi32>,
    %get3A_27 = arith.constant 32 : index
    %get3A_28 = tpu.vector_load %arg5[%get3A_27] {strides = array<i32>} : memref<1024xi32, #tpu.memory_space<vmem>>, vector<16xi32>,
    %get3A_29 = vector.shape_cast %get3A_28 : vector<16xi32> to vector<16xi32>
    %add3A_30 = arith.constant 0 : i32
    %add3A_31 = arith.addi %mul3A_2, %add3A_30 : i32
    %mul3A_32 = arith.constant 100000 : i32
    %mul3A_33 = arith.muli %add3A_31, %mul3A_32 : i32
    %add3A_34 = vector.broadcast %mul3A_33 : i32 to vector<16xi32>
    %add3A_35 = arith.addi %get3A_29, %add3A_34 : vector<16xi32>
    %swap3A_36 = arith.constant 32 : index
    %swap3A_37 = tpu.vector_load %arg6[%swap3A_36] {strides = array<i32>} : memref<2048xi32, #tpu.memory_space<vmem>>, vector<16xi32>,
    %swap3A_38 = vector.shape_cast %swap3A_37 : vector<16xi32> to vector<16xi32>
    %swap3A_39 = vector.shape_cast %add3A_35 : vector<16xi32> to vector<16xi32>
    tpu.vector_store %arg6[%swap3A_36], %swap3A_39 {strides = array<i32>} : memref<2048xi32, #tpu.memory_space<vmem>>, vector<16xi32>,
    %get3A_40 = arith.constant 48 : index
    %get3A_41 = tpu.vector_load %arg5[%get3A_40] {strides = array<i32>} : memref<1024xi32, #tpu.memory_space<vmem>>, vector<16xi32>,
    %get3A_42 = vector.shape_cast %get3A_41 : vector<16xi32> to vector<16xi32>
    %add3A_43 = arith.constant 0 : i32
    %add3A_44 = arith.addi %mul3A_2, %add3A_43 : i32
    %mul3A_45 = arith.constant 100000 : i32
    %mul3A_46 = arith.muli %add3A_44, %mul3A_45 : i32
    %add3A_47 = vector.broadcast %mul3A_46 : i32 to vector<16xi32>
    %add3A_48 = arith.addi %get3A_42, %add3A_47 : vector<16xi32>
    %swap3A_49 = arith.constant 48 : index
    %swap3A_50 = tpu.vector_load %arg6[%swap3A_49] {strides = array<i32>} : memref<2048xi32, #tpu.memory_space<vmem>>, vector<16xi32>,
    %swap3A_51 = vector.shape_cast %swap3A_50 : vector<16xi32> to vector<16xi32>
    %swap3A_52 = vector.shape_cast %add3A_48 : vector<16xi32> to vector<16xi32>
    tpu.vector_store %arg6[%swap3A_49], %swap3A_52 {strides = array<i32>} : memref<2048xi32, #tpu.memory_space<vmem>>, vector<16xi32>,
    %get3A_53 = arith.constant 64 : index
    %get3A_54 = tpu.vector_load %arg5[%get3A_53] {strides = array<i32>} : memref<1024xi32, #tpu.memory_space<vmem>>, vector<16xi32>,
    %get3A_55 = vector.shape_cast %get3A_54 : vector<16xi32> to vector<16xi32>
    %add3A_56 = arith.constant 0 : i32
    %add3A_57 = arith.addi %mul3A_2, %add3A_56 : i32
    %mul3A_58 = arith.constant 100000 : i32
    %mul3A_59 = arith.muli %add3A_57, %mul3A_58 : i32
    %add3A_60 = vector.broadcast %mul3A_59 : i32 to vector<16xi32>
    %add3A_61 = arith.addi %get3A_55, %add3A_60 : vector<16xi32>
    %swap3A_62 = arith.constant 64 : index
    %swap3A_63 = tpu.vector_load %arg6[%swap3A_62] {strides = array<i32>} : memref<2048xi32, #tpu.memory_space<vmem>>, vector<16xi32>,
    %swap3A_64 = vector.shape_cast %swap3A_63 : vector<16xi32> to vector<16xi32>
    %swap3A_65 = vector.shape_cast %add3A_61 : vector<16xi32> to vector<16xi32>
    tpu.vector_store %arg6[%swap3A_62], %swap3A_65 {strides = array<i32>} : memref<2048xi32, #tpu.memory_space<vmem>>, vector<16xi32>,
    %get3A_66 = arith.constant 80 : index
    %get3A_67 = tpu.vector_load %arg5[%get3A_66] {strides = array<i32>} : memref<1024xi32, #tpu.memory_space<vmem>>, vector<16xi32>,
    %get3A_68 = vector.shape_cast %get3A_67 : vector<16xi32> to vector<16xi32>
    %add3A_69 = arith.constant 0 : i32
    %add3A_70 = arith.addi %mul3A_2, %add3A_69 : i32
    %mul3A_71 = arith.constant 100000 : i32
    %mul3A_72 = arith.muli %add3A_70, %mul3A_71 : i32
    %add3A_73 = vector.broadcast %mul3A_72 : i32 to vector<16xi32>
    %add3A_74 = arith.addi %get3A_68, %add3A_73 : vector<16xi32>
    %swap3A_75 = arith.constant 80 : index
    %swap3A_76 = tpu.vector_load %arg6[%swap3A_75] {strides = array<i32>} : memref<2048xi32, #tpu.memory_space<vmem>>, vector<16xi32>,
    %swap3A_77 = vector.shape_cast %swap3A_76 : vector<16xi32> to vector<16xi32>
    %swap3A_78 = vector.shape_cast %add3A_74 : vector<16xi32> to vector<16xi32>
    tpu.vector_store %arg6[%swap3A_75], %swap3A_78 {strides = array<i32>} : memref<2048xi32, #tpu.memory_space<vmem>>, vector<16xi32>,
    %get3A_79 = arith.constant 96 : index
    %get3A_80 = tpu.vector_load %arg5[%get3A_79] {strides = array<i32>} : memref<1024xi32, #tpu.memory_space<vmem>>, vector<16xi32>,
    %get3A_81 = vector.shape_cast %get3A_80 : vector<16xi32> to vector<16xi32>
    %add3A_82 = arith.constant 0 : i32
    %add3A_83 = arith.addi %mul3A_2, %add3A_82 : i32
    %mul3A_84 = arith.constant 100000 : i32
    %mul3A_85 = arith.muli %add3A_83, %mul3A_84 : i32
    %add3A_86 = vector.broadcast %mul3A_85 : i32 to vector<16xi32>
    %add3A_87 = arith.addi %get3A_81, %add3A_86 : vector<16xi32>
    %swap3A_88 = arith.constant 96 : index
    %swap3A_89 = tpu.vector_load %arg6[%swap3A_88] {strides = array<i32>} : memref<2048xi32, #tpu.memory_space<vmem>>, vector<16xi32>,
    %swap3A_90 = vector.shape_cast %swap3A_89 : vector<16xi32> to vector<16xi32>
    %swap3A_91 = vector.shape_cast %add3A_87 : vector<16xi32> to vector<16xi32>
    tpu.vector_store %arg6[%swap3A_88], %swap3A_91 {strides = array<i32>} : memref<2048xi32, #tpu.memory_space<vmem>>, vector<16xi32>,
    %get3A_92 = arith.constant 112 : index
    %get3A_93 = tpu.vector_load %arg5[%get3A_92] {strides = array<i32>} : memref<1024xi32, #tpu.memory_space<vmem>>, vector<16xi32>,
    %get3A_94 = vector.shape_cast %get3A_93 : vector<16xi32> to vector<16xi32>
    %add3A_95 = arith.constant 0 : i32
    %add3A_96 = arith.addi %mul3A_2, %add3A_95 : i32
    %mul3A_97 = arith.constant 100000 : i32
    %mul3A_98 = arith.muli %add3A_96, %mul3A_97 : i32
    %add3A_99 = vector.broadcast %mul3A_98 : i32 to vector<16xi32>
    %add3A_100 = arith.addi %get3A_94, %add3A_99 : vector<16xi32>
    %swap3A_101 = arith.constant 112 : index
    %swap3A_102 = tpu.vector_load %arg6[%swap3A_101] {strides = array<i32>} : memref<2048xi32, #tpu.memory_space<vmem>>, vector<16xi32>,
    %swap3A_103 = vector.shape_cast %swap3A_102 : vector<16xi32> to vector<16xi32>
    %swap3A_104 = vector.shape_cast %add3A_100 : vector<16xi32> to vector<16xi32>
    tpu.vector_store %arg6[%swap3A_101], %swap3A_104 {strides = array<i32>} : memref<2048xi32, #tpu.memory_space<vmem>>, vector<16xi32>,
    %get3A_105 = arith.constant 128 : index
    %get3A_106 = tpu.vector_load %arg5[%get3A_105] {strides = array<i32>} : memref<1024xi32, #tpu.memory_space<vmem>>, vector<16xi32>,
    %get3A_107 = vector.shape_cast %get3A_106 : vector<16xi32> to vector<16xi32>
    %add3A_108 = arith.constant 0 : i32
    %add3A_109 = arith.addi %mul3A_2, %add3A_108 : i32
    %mul3A_110 = arith.constant 100000 : i32
    %mul3A_111 = arith.muli %add3A_109, %mul3A_110 : i32
    %add3A_112 = vector.broadcast %mul3A_111 : i32 to vector<16xi32>
    %add3A_113 = arith.addi %get3A_107, %add3A_112 : vector<16xi32>
    %swap3A_114 = arith.constant 128 : index
    %swap3A_115 = tpu.vector_load %arg6[%swap3A_114] {strides = array<i32>} : memref<2048xi32, #tpu.memory_space<vmem>>, vector<16xi32>,
    %swap3A_116 = vector.shape_cast %swap3A_115 : vector<16xi32> to vector<16xi32>
    %swap3A_117 = vector.shape_cast %add3A_113 : vector<16xi32> to vector<16xi32>
    tpu.vector_store %arg6[%swap3A_114], %swap3A_117 {strides = array<i32>} : memref<2048xi32, #tpu.memory_space<vmem>>, vector<16xi32>,
    %get3A_118 = arith.constant 144 : index
    %get3A_119 = tpu.vector_load %arg5[%get3A_118] {strides = array<i32>} : memref<1024xi32, #tpu.memory_space<vmem>>, vector<16xi32>,
    %get3A_120 = vector.shape_cast %get3A_119 : vector<16xi32> to vector<16xi32>
    %add3A_121 = arith.constant 0 : i32
    %add3A_122 = arith.addi %mul3A_2, %add3A_121 : i32
    %mul3A_123 = arith.constant 100000 : i32
    %mul3A_124 = arith.muli %add3A_122, %mul3A_123 : i32
    %add3A_125 = vector.broadcast %mul3A_124 : i32 to vector<16xi32>
    %add3A_126 = arith.addi %get3A_120, %add3A_125 : vector<16xi32>
    %swap3A_127 = arith.constant 144 : index
    %swap3A_128 = tpu.vector_load %arg6[%swap3A_127] {strides = array<i32>} : memref<2048xi32, #tpu.memory_space<vmem>>, vector<16xi32>,
    %swap3A_129 = vector.shape_cast %swap3A_128 : vector<16xi32> to vector<16xi32>
    %swap3A_130 = vector.shape_cast %add3A_126 : vector<16xi32> to vector<16xi32>
    tpu.vector_store %arg6[%swap3A_127], %swap3A_130 {strides = array<i32>} : memref<2048xi32, #tpu.memory_space<vmem>>, vector<16xi32>,
    %get3A_131 = arith.constant 160 : index
    %get3A_132 = tpu.vector_load %arg5[%get3A_131] {strides = array<i32>} : memref<1024xi32, #tpu.memory_space<vmem>>, vector<16xi32>,
    %get3A_133 = vector.shape_cast %get3A_132 : vector<16xi32> to vector<16xi32>
    %add3A_134 = arith.constant 0 : i32
    %add3A_135 = arith.addi %mul3A_2, %add3A_134 : i32
    %mul3A_136 = arith.constant 100000 : i32
    %mul3A_137 = arith.muli %add3A_135, %mul3A_136 : i32
    %add3A_138 = vector.broadcast %mul3A_137 : i32 to vector<16xi32>
    %add3A_139 = arith.addi %get3A_133, %add3A_138 : vector<16xi32>
    %swap3A_140 = arith.constant 160 : index
    %swap3A_141 = tpu.vector_load %arg6[%swap3A_140] {strides = array<i32>} : memref<2048xi32, #tpu.memory_space<vmem>>, vector<16xi32>,
    %swap3A_142 = vector.shape_cast %swap3A_141 : vector<16xi32> to vector<16xi32>
    %swap3A_143 = vector.shape_cast %add3A_139 : vector<16xi32> to vector<16xi32>
    tpu.vector_store %arg6[%swap3A_140], %swap3A_143 {strides = array<i32>} : memref<2048xi32, #tpu.memory_space<vmem>>, vector<16xi32>,
    %get3A_144 = arith.constant 176 : index
    %get3A_145 = tpu.vector_load %arg5[%get3A_144] {strides = array<i32>} : memref<1024xi32, #tpu.memory_space<vmem>>, vector<16xi32>,
    %get3A_146 = vector.shape_cast %get3A_145 : vector<16xi32> to vector<16xi32>
    %add3A_147 = arith.constant 0 : i32
    %add3A_148 = arith.addi %mul3A_2, %add3A_147 : i32
    %mul3A_149 = arith.constant 100000 : i32
    %mul3A_150 = arith.muli %add3A_148, %mul3A_149 : i32
    %add3A_151 = vector.broadcast %mul3A_150 : i32 to vector<16xi32>
    %add3A_152 = arith.addi %get3A_146, %add3A_151 : vector<16xi32>
    %swap3A_153 = arith.constant 176 : index
    %swap3A_154 = tpu.vector_load %arg6[%swap3A_153] {strides = array<i32>} : memref<2048xi32, #tpu.memory_space<vmem>>, vector<16xi32>,
    %swap3A_155 = vector.shape_cast %swap3A_154 : vector<16xi32> to vector<16xi32>
    %swap3A_156 = vector.shape_cast %add3A_152 : vector<16xi32> to vector<16xi32>
    tpu.vector_store %arg6[%swap3A_153], %swap3A_156 {strides = array<i32>} : memref<2048xi32, #tpu.memory_space<vmem>>, vector<16xi32>,
    %get3A_157 = arith.constant 192 : index
    %get3A_158 = tpu.vector_load %arg5[%get3A_157] {strides = array<i32>} : memref<1024xi32, #tpu.memory_space<vmem>>, vector<16xi32>,
    %get3A_159 = vector.shape_cast %get3A_158 : vector<16xi32> to vector<16xi32>
    %add3A_160 = arith.constant 0 : i32
    %add3A_161 = arith.addi %mul3A_2, %add3A_160 : i32
    %mul3A_162 = arith.constant 100000 : i32
    %mul3A_163 = arith.muli %add3A_161, %mul3A_162 : i32
    %add3A_164 = vector.broadcast %mul3A_163 : i32 to vector<16xi32>
    %add3A_165 = arith.addi %get3A_159, %add3A_164 : vector<16xi32>
    %swap3A_166 = arith.constant 192 : index
    %swap3A_167 = tpu.vector_load %arg6[%swap3A_166] {strides = array<i32>} : memref<2048xi32, #tpu.memory_space<vmem>>, vector<16xi32>,
    %swap3A_168 = vector.shape_cast %swap3A_167 : vector<16xi32> to vector<16xi32>
    %swap3A_169 = vector.shape_cast %add3A_165 : vector<16xi32> to vector<16xi32>
    tpu.vector_store %arg6[%swap3A_166], %swap3A_169 {strides = array<i32>} : memref<2048xi32, #tpu.memory_space<vmem>>, vector<16xi32>,
    %get3A_170 = arith.constant 208 : index
    %get3A_171 = tpu.vector_load %arg5[%get3A_170] {strides = array<i32>} : memref<1024xi32, #tpu.memory_space<vmem>>, vector<16xi32>,
    %get3A_172 = vector.shape_cast %get3A_171 : vector<16xi32> to vector<16xi32>
    %add3A_173 = arith.constant 0 : i32
    %add3A_174 = arith.addi %mul3A_2, %add3A_173 : i32
    %mul3A_175 = arith.constant 100000 : i32
    %mul3A_176 = arith.muli %add3A_174, %mul3A_175 : i32
    %add3A_177 = vector.broadcast %mul3A_176 : i32 to vector<16xi32>
    %add3A_178 = arith.addi %get3A_172, %add3A_177 : vector<16xi32>
    %swap3A_179 = arith.constant 208 : index
    %swap3A_180 = tpu.vector_load %arg6[%swap3A_179] {strides = array<i32>} : memref<2048xi32, #tpu.memory_space<vmem>>, vector<16xi32>,
    %swap3A_181 = vector.shape_cast %swap3A_180 : vector<16xi32> to vector<16xi32>
    %swap3A_182 = vector.shape_cast %add3A_178 : vector<16xi32> to vector<16xi32>
    tpu.vector_store %arg6[%swap3A_179], %swap3A_182 {strides = array<i32>} : memref<2048xi32, #tpu.memory_space<vmem>>, vector<16xi32>,
    %get3A_183 = arith.constant 224 : index
    %get3A_184 = tpu.vector_load %arg5[%get3A_183] {strides = array<i32>} : memref<1024xi32, #tpu.memory_space<vmem>>, vector<16xi32>,
    %get3A_185 = vector.shape_cast %get3A_184 : vector<16xi32> to vector<16xi32>
    %add3A_186 = arith.constant 0 : i32
    %add3A_187 = arith.addi %mul3A_2, %add3A_186 : i32
    %mul3A_188 = arith.constant 100000 : i32
    %mul3A_189 = arith.muli %add3A_187, %mul3A_188 : i32
    %add3A_190 = vector.broadcast %mul3A_189 : i32 to vector<16xi32>
    %add3A_191 = arith.addi %get3A_185, %add3A_190 : vector<16xi32>
    %swap3A_192 = arith.constant 224 : index
    %swap3A_193 = tpu.vector_load %arg6[%swap3A_192] {strides = array<i32>} : memref<2048xi32, #tpu.memory_space<vmem>>, vector<16xi32>,
    %swap3A_194 = vector.shape_cast %swap3A_193 : vector<16xi32> to vector<16xi32>
    %swap3A_195 = vector.shape_cast %add3A_191 : vector<16xi32> to vector<16xi32>
    tpu.vector_store %arg6[%swap3A_192], %swap3A_195 {strides = array<i32>} : memref<2048xi32, #tpu.memory_space<vmem>>, vector<16xi32>,
    %get3A_196 = arith.constant 240 : index
    %get3A_197 = tpu.vector_load %arg5[%get3A_196] {strides = array<i32>} : memref<1024xi32, #tpu.memory_space<vmem>>, vector<16xi32>,
    %get3A_198 = vector.shape_cast %get3A_197 : vector<16xi32> to vector<16xi32>
    %add3A_199 = arith.constant 0 : i32
    %add3A_200 = arith.addi %mul3A_2, %add3A_199 : i32
    %mul3A_201 = arith.constant 100000 : i32
    %mul3A_202 = arith.muli %add3A_200, %mul3A_201 : i32
    %add3A_203 = vector.broadcast %mul3A_202 : i32 to vector<16xi32>
    %add3A_204 = arith.addi %get3A_198, %add3A_203 : vector<16xi32>
    %swap3A_205 = arith.constant 240 : index
    %swap3A_206 = tpu.vector_load %arg6[%swap3A_205] {strides = array<i32>} : memref<2048xi32, #tpu.memory_space<vmem>>, vector<16xi32>,
    %swap3A_207 = vector.shape_cast %swap3A_206 : vector<16xi32> to vector<16xi32>
    %swap3A_208 = vector.shape_cast %add3A_204 : vector<16xi32> to vector<16xi32>
    tpu.vector_store %arg6[%swap3A_205], %swap3A_208 {strides = array<i32>} : memref<2048xi32, #tpu.memory_space<vmem>>, vector<16xi32>,
    %get3A_209 = arith.constant 256 : index
    %get3A_210 = tpu.vector_load %arg5[%get3A_209] {strides = array<i32>} : memref<1024xi32, #tpu.memory_space<vmem>>, vector<16xi32>,
    %get3A_211 = vector.shape_cast %get3A_210 : vector<16xi32> to vector<16xi32>
    %add3A_212 = arith.constant 0 : i32
    %add3A_213 = arith.addi %mul3A_2, %add3A_212 : i32
    %mul3A_214 = arith.constant 100000 : i32
    %mul3A_215 = arith.muli %add3A_213, %mul3A_214 : i32
    %add3A_216 = vector.broadcast %mul3A_215 : i32 to vector<16xi32>
    %add3A_217 = arith.addi %get3A_211, %add3A_216 : vector<16xi32>
    %swap3A_218 = arith.constant 256 : index
    %swap3A_219 = tpu.vector_load %arg6[%swap3A_218] {strides = array<i32>} : memref<2048xi32, #tpu.memory_space<vmem>>, vector<16xi32>,
    %swap3A_220 = vector.shape_cast %swap3A_219 : vector<16xi32> to vector<16xi32>
    %swap3A_221 = vector.shape_cast %add3A_217 : vector<16xi32> to vector<16xi32>
    tpu.vector_store %arg6[%swap3A_218], %swap3A_221 {strides = array<i32>} : memref<2048xi32, #tpu.memory_space<vmem>>, vector<16xi32>,
    %get3A_222 = arith.constant 272 : index
    %get3A_223 = tpu.vector_load %arg5[%get3A_222] {strides = array<i32>} : memref<1024xi32, #tpu.memory_space<vmem>>, vector<16xi32>,
    %get3A_224 = vector.shape_cast %get3A_223 : vector<16xi32> to vector<16xi32>
    %add3A_225 = arith.constant 0 : i32
    %add3A_226 = arith.addi %mul3A_2, %add3A_225 : i32
    %mul3A_227 = arith.constant 100000 : i32
    %mul3A_228 = arith.muli %add3A_226, %mul3A_227 : i32
    %add3A_229 = vector.broadcast %mul3A_228 : i32 to vector<16xi32>
    %add3A_230 = arith.addi %get3A_224, %add3A_229 : vector<16xi32>
    %swap3A_231 = arith.constant 272 : index
    %swap3A_232 = tpu.vector_load %arg6[%swap3A_231] {strides = array<i32>} : memref<2048xi32, #tpu.memory_space<vmem>>, vector<16xi32>,
    %swap3A_233 = vector.shape_cast %swap3A_232 : vector<16xi32> to vector<16xi32>
    %swap3A_234 = vector.shape_cast %add3A_230 : vector<16xi32> to vector<16xi32>
    tpu.vector_store %arg6[%swap3A_231], %swap3A_234 {strides = array<i32>} : memref<2048xi32, #tpu.memory_space<vmem>>, vector<16xi32>,
    %get3A_235 = arith.constant 288 : index
    %get3A_236 = tpu.vector_load %arg5[%get3A_235] {strides = array<i32>} : memref<1024xi32, #tpu.memory_space<vmem>>, vector<16xi32>,
    %get3A_237 = vector.shape_cast %get3A_236 : vector<16xi32> to vector<16xi32>
    %add3A_238 = arith.constant 0 : i32
    %add3A_239 = arith.addi %mul3A_2, %add3A_238 : i32
    %mul3A_240 = arith.constant 100000 : i32
    %mul3A_241 = arith.muli %add3A_239, %mul3A_240 : i32
    %add3A_242 = vector.broadcast %mul3A_241 : i32 to vector<16xi32>
    %add3A_243 = arith.addi %get3A_237, %add3A_242 : vector<16xi32>
    %swap3A_244 = arith.constant 288 : index
    %swap3A_245 = tpu.vector_load %arg6[%swap3A_244] {strides = array<i32>} : memref<2048xi32, #tpu.memory_space<vmem>>, vector<16xi32>,
    %swap3A_246 = vector.shape_cast %swap3A_245 : vector<16xi32> to vector<16xi32>
    %swap3A_247 = vector.shape_cast %add3A_243 : vector<16xi32> to vector<16xi32>
    tpu.vector_store %arg6[%swap3A_244], %swap3A_247 {strides = array<i32>} : memref<2048xi32, #tpu.memory_space<vmem>>, vector<16xi32>,
    %get3A_248 = arith.constant 304 : index
    %get3A_249 = tpu.vector_load %arg5[%get3A_248] {strides = array<i32>} : memref<1024xi32, #tpu.memory_space<vmem>>, vector<16xi32>,
    %get3A_250 = vector.shape_cast %get3A_249 : vector<16xi32> to vector<16xi32>
    %add3A_251 = arith.constant 0 : i32
    %add3A_252 = arith.addi %mul3A_2, %add3A_251 : i32
    %mul3A_253 = arith.constant 100000 : i32
    %mul3A_254 = arith.muli %add3A_252, %mul3A_253 : i32
    %add3A_255 = vector.broadcast %mul3A_254 : i32 to vector<16xi32>
    %add3A_256 = arith.addi %get3A_250, %add3A_255 : vector<16xi32>
    %swap3A_257 = arith.constant 304 : index
    %swap3A_258 = tpu.vector_load %arg6[%swap3A_257] {strides = array<i32>} : memref<2048xi32, #tpu.memory_space<vmem>>, vector<16xi32>,
    %swap3A_259 = vector.shape_cast %swap3A_258 : vector<16xi32> to vector<16xi32>
    %swap3A_260 = vector.shape_cast %add3A_256 : vector<16xi32> to vector<16xi32>
    tpu.vector_store %arg6[%swap3A_257], %swap3A_260 {strides = array<i32>} : memref<2048xi32, #tpu.memory_space<vmem>>, vector<16xi32>,
    %get3A_261 = arith.constant 320 : index
    %get3A_262 = tpu.vector_load %arg5[%get3A_261] {strides = array<i32>} : memref<1024xi32, #tpu.memory_space<vmem>>, vector<16xi32>,
    %get3A_263 = vector.shape_cast %get3A_262 : vector<16xi32> to vector<16xi32>
    %add3A_264 = arith.constant 0 : i32
    %add3A_265 = arith.addi %mul3A_2, %add3A_264 : i32
    %mul3A_266 = arith.constant 100000 : i32
    %mul3A_267 = arith.muli %add3A_265, %mul3A_266 : i32
    %add3A_268 = vector.broadcast %mul3A_267 : i32 to vector<16xi32>
    %add3A_269 = arith.addi %get3A_263, %add3A_268 : vector<16xi32>
    %swap3A_270 = arith.constant 320 : index
    %swap3A_271 = tpu.vector_load %arg6[%swap3A_270] {strides = array<i32>} : memref<2048xi32, #tpu.memory_space<vmem>>, vector<16xi32>,
    %swap3A_272 = vector.shape_cast %swap3A_271 : vector<16xi32> to vector<16xi32>
    %swap3A_273 = vector.shape_cast %add3A_269 : vector<16xi32> to vector<16xi32>
    tpu.vector_store %arg6[%swap3A_270], %swap3A_273 {strides = array<i32>} : memref<2048xi32, #tpu.memory_space<vmem>>, vector<16xi32>,
    %get3A_274 = arith.constant 336 : index
    %get3A_275 = tpu.vector_load %arg5[%get3A_274] {strides = array<i32>} : memref<1024xi32, #tpu.memory_space<vmem>>, vector<16xi32>,
    %get3A_276 = vector.shape_cast %get3A_275 : vector<16xi32> to vector<16xi32>
    %add3A_277 = arith.constant 0 : i32
    %add3A_278 = arith.addi %mul3A_2, %add3A_277 : i32
    %mul3A_279 = arith.constant 100000 : i32
    %mul3A_280 = arith.muli %add3A_278, %mul3A_279 : i32
    %add3A_281 = vector.broadcast %mul3A_280 : i32 to vector<16xi32>
    %add3A_282 = arith.addi %get3A_276, %add3A_281 : vector<16xi32>
    %swap3A_283 = arith.constant 336 : index
    %swap3A_284 = tpu.vector_load %arg6[%swap3A_283] {strides = array<i32>} : memref<2048xi32, #tpu.memory_space<vmem>>, vector<16xi32>,
    %swap3A_285 = vector.shape_cast %swap3A_284 : vector<16xi32> to vector<16xi32>
    %swap3A_286 = vector.shape_cast %add3A_282 : vector<16xi32> to vector<16xi32>
    tpu.vector_store %arg6[%swap3A_283], %swap3A_286 {strides = array<i32>} : memref<2048xi32, #tpu.memory_space<vmem>>, vector<16xi32>,
    %get3A_287 = arith.constant 352 : index
    %get3A_288 = tpu.vector_load %arg5[%get3A_287] {strides = array<i32>} : memref<1024xi32, #tpu.memory_space<vmem>>, vector<16xi32>,
    %get3A_289 = vector.shape_cast %get3A_288 : vector<16xi32> to vector<16xi32>
    %add3A_290 = arith.constant 0 : i32
    %add3A_291 = arith.addi %mul3A_2, %add3A_290 : i32
    %mul3A_292 = arith.constant 100000 : i32
    %mul3A_293 = arith.muli %add3A_291, %mul3A_292 : i32
    %add3A_294 = vector.broadcast %mul3A_293 : i32 to vector<16xi32>
    %add3A_295 = arith.addi %get3A_289, %add3A_294 : vector<16xi32>
    %swap3A_296 = arith.constant 352 : index
    %swap3A_297 = tpu.vector_load %arg6[%swap3A_296] {strides = array<i32>} : memref<2048xi32, #tpu.memory_space<vmem>>, vector<16xi32>,
    %swap3A_298 = vector.shape_cast %swap3A_297 : vector<16xi32> to vector<16xi32>
    %swap3A_299 = vector.shape_cast %add3A_295 : vector<16xi32> to vector<16xi32>
    tpu.vector_store %arg6[%swap3A_296], %swap3A_299 {strides = array<i32>} : memref<2048xi32, #tpu.memory_space<vmem>>, vector<16xi32>,
    %get3A_300 = arith.constant 368 : index
    %get3A_301 = tpu.vector_load %arg5[%get3A_300] {strides = array<i32>} : memref<1024xi32, #tpu.memory_space<vmem>>, vector<16xi32>,
    %get3A_302 = vector.shape_cast %get3A_301 : vector<16xi32> to vector<16xi32>
    %add3A_303 = arith.constant 0 : i32
    %add3A_304 = arith.addi %mul3A_2, %add3A_303 : i32
    %mul3A_305 = arith.constant 100000 : i32
    %mul3A_306 = arith.muli %add3A_304, %mul3A_305 : i32
    %add3A_307 = vector.broadcast %mul3A_306 : i32 to vector<16xi32>
    %add3A_308 = arith.addi %get3A_302, %add3A_307 : vector<16xi32>
    %swap3A_309 = arith.constant 368 : index
    %swap3A_310 = tpu.vector_load %arg6[%swap3A_309] {strides = array<i32>} : memref<2048xi32, #tpu.memory_space<vmem>>, vector<16xi32>,
    %swap3A_311 = vector.shape_cast %swap3A_310 : vector<16xi32> to vector<16xi32>
    %swap3A_312 = vector.shape_cast %add3A_308 : vector<16xi32> to vector<16xi32>
    tpu.vector_store %arg6[%swap3A_309], %swap3A_312 {strides = array<i32>} : memref<2048xi32, #tpu.memory_space<vmem>>, vector<16xi32>,
    %get3A_313 = arith.constant 384 : index
    %get3A_314 = tpu.vector_load %arg5[%get3A_313] {strides = array<i32>} : memref<1024xi32, #tpu.memory_space<vmem>>, vector<16xi32>,
    %get3A_315 = vector.shape_cast %get3A_314 : vector<16xi32> to vector<16xi32>
    %add3A_316 = arith.constant 0 : i32
    %add3A_317 = arith.addi %mul3A_2, %add3A_316 : i32
    %mul3A_318 = arith.constant 100000 : i32
    %mul3A_319 = arith.muli %add3A_317, %mul3A_318 : i32
    %add3A_320 = vector.broadcast %mul3A_319 : i32 to vector<16xi32>
    %add3A_321 = arith.addi %get3A_315, %add3A_320 : vector<16xi32>
    %swap3A_322 = arith.constant 384 : index
    %swap3A_323 = tpu.vector_load %arg6[%swap3A_322] {strides = array<i32>} : memref<2048xi32, #tpu.memory_space<vmem>>, vector<16xi32>,
    %swap3A_324 = vector.shape_cast %swap3A_323 : vector<16xi32> to vector<16xi32>
    %swap3A_325 = vector.shape_cast %add3A_321 : vector<16xi32> to vector<16xi32>
    tpu.vector_store %arg6[%swap3A_322], %swap3A_325 {strides = array<i32>} : memref<2048xi32, #tpu.memory_space<vmem>>, vector<16xi32>,
    %get3A_326 = arith.constant 400 : index
    %get3A_327 = tpu.vector_load %arg5[%get3A_326] {strides = array<i32>} : memref<1024xi32, #tpu.memory_space<vmem>>, vector<16xi32>,
    %get3A_328 = vector.shape_cast %get3A_327 : vector<16xi32> to vector<16xi32>
    %add3A_329 = arith.constant 0 : i32
    %add3A_330 = arith.addi %mul3A_2, %add3A_329 : i32
    %mul3A_331 = arith.constant 100000 : i32
    %mul3A_332 = arith.muli %add3A_330, %mul3A_331 : i32
    %add3A_333 = vector.broadcast %mul3A_332 : i32 to vector<16xi32>
    %add3A_334 = arith.addi %get3A_328, %add3A_333 : vector<16xi32>
    %swap3A_335 = arith.constant 400 : index
    %swap3A_336 = tpu.vector_load %arg6[%swap3A_335] {strides = array<i32>} : memref<2048xi32, #tpu.memory_space<vmem>>, vector<16xi32>,
    %swap3A_337 = vector.shape_cast %swap3A_336 : vector<16xi32> to vector<16xi32>
    %swap3A_338 = vector.shape_cast %add3A_334 : vector<16xi32> to vector<16xi32>
    tpu.vector_store %arg6[%swap3A_335], %swap3A_338 {strides = array<i32>} : memref<2048xi32, #tpu.memory_space<vmem>>, vector<16xi32>,
    %get3A_339 = arith.constant 416 : index
    %get3A_340 = tpu.vector_load %arg5[%get3A_339] {strides = array<i32>} : memref<1024xi32, #tpu.memory_space<vmem>>, vector<16xi32>,
    %get3A_341 = vector.shape_cast %get3A_340 : vector<16xi32> to vector<16xi32>
    %add3A_342 = arith.constant 0 : i32
    %add3A_343 = arith.addi %mul3A_2, %add3A_342 : i32
    %mul3A_344 = arith.constant 100000 : i32
    %mul3A_345 = arith.muli %add3A_343, %mul3A_344 : i32
    %add3A_346 = vector.broadcast %mul3A_345 : i32 to vector<16xi32>
    %add3A_347 = arith.addi %get3A_341, %add3A_346 : vector<16xi32>
    %swap3A_348 = arith.constant 416 : index
    %swap3A_349 = tpu.vector_load %arg6[%swap3A_348] {strides = array<i32>} : memref<2048xi32, #tpu.memory_space<vmem>>, vector<16xi32>,
    %swap3A_350 = vector.shape_cast %swap3A_349 : vector<16xi32> to vector<16xi32>
    %swap3A_351 = vector.shape_cast %add3A_347 : vector<16xi32> to vector<16xi32>
    tpu.vector_store %arg6[%swap3A_348], %swap3A_351 {strides = array<i32>} : memref<2048xi32, #tpu.memory_space<vmem>>, vector<16xi32>,
    %get3A_352 = arith.constant 432 : index
    %get3A_353 = tpu.vector_load %arg5[%get3A_352] {strides = array<i32>} : memref<1024xi32, #tpu.memory_space<vmem>>, vector<16xi32>,
    %get3A_354 = vector.shape_cast %get3A_353 : vector<16xi32> to vector<16xi32>
    %add3A_355 = arith.constant 0 : i32
    %add3A_356 = arith.addi %mul3A_2, %add3A_355 : i32
    %mul3A_357 = arith.constant 100000 : i32
    %mul3A_358 = arith.muli %add3A_356, %mul3A_357 : i32
    %add3A_359 = vector.broadcast %mul3A_358 : i32 to vector<16xi32>
    %add3A_360 = arith.addi %get3A_354, %add3A_359 : vector<16xi32>
    %swap3A_361 = arith.constant 432 : index
    %swap3A_362 = tpu.vector_load %arg6[%swap3A_361] {strides = array<i32>} : memref<2048xi32, #tpu.memory_space<vmem>>, vector<16xi32>,
    %swap3A_363 = vector.shape_cast %swap3A_362 : vector<16xi32> to vector<16xi32>
    %swap3A_364 = vector.shape_cast %add3A_360 : vector<16xi32> to vector<16xi32>
    tpu.vector_store %arg6[%swap3A_361], %swap3A_364 {strides = array<i32>} : memref<2048xi32, #tpu.memory_space<vmem>>, vector<16xi32>,
    %get3A_365 = arith.constant 448 : index
    %get3A_366 = tpu.vector_load %arg5[%get3A_365] {strides = array<i32>} : memref<1024xi32, #tpu.memory_space<vmem>>, vector<16xi32>,
    %get3A_367 = vector.shape_cast %get3A_366 : vector<16xi32> to vector<16xi32>
    %add3A_368 = arith.constant 0 : i32
    %add3A_369 = arith.addi %mul3A_2, %add3A_368 : i32
    %mul3A_370 = arith.constant 100000 : i32
    %mul3A_371 = arith.muli %add3A_369, %mul3A_370 : i32
    %add3A_372 = vector.broadcast %mul3A_371 : i32 to vector<16xi32>
    %add3A_373 = arith.addi %get3A_367, %add3A_372 : vector<16xi32>
    %swap3A_374 = arith.constant 448 : index
    %swap3A_375 = tpu.vector_load %arg6[%swap3A_374] {strides = array<i32>} : memref<2048xi32, #tpu.memory_space<vmem>>, vector<16xi32>,
    %swap3A_376 = vector.shape_cast %swap3A_375 : vector<16xi32> to vector<16xi32>
    %swap3A_377 = vector.shape_cast %add3A_373 : vector<16xi32> to vector<16xi32>
    tpu.vector_store %arg6[%swap3A_374], %swap3A_377 {strides = array<i32>} : memref<2048xi32, #tpu.memory_space<vmem>>, vector<16xi32>,
    %get3A_378 = arith.constant 464 : index
    %get3A_379 = tpu.vector_load %arg5[%get3A_378] {strides = array<i32>} : memref<1024xi32, #tpu.memory_space<vmem>>, vector<16xi32>,
    %get3A_380 = vector.shape_cast %get3A_379 : vector<16xi32> to vector<16xi32>
    %add3A_381 = arith.constant 0 : i32
    %add3A_382 = arith.addi %mul3A_2, %add3A_381 : i32
    %mul3A_383 = arith.constant 100000 : i32
    %mul3A_384 = arith.muli %add3A_382, %mul3A_383 : i32
    %add3A_385 = vector.broadcast %mul3A_384 : i32 to vector<16xi32>
    %add3A_386 = arith.addi %get3A_380, %add3A_385 : vector<16xi32>
    %swap3A_387 = arith.constant 464 : index
    %swap3A_388 = tpu.vector_load %arg6[%swap3A_387] {strides = array<i32>} : memref<2048xi32, #tpu.memory_space<vmem>>, vector<16xi32>,
    %swap3A_389 = vector.shape_cast %swap3A_388 : vector<16xi32> to vector<16xi32>
    %swap3A_390 = vector.shape_cast %add3A_386 : vector<16xi32> to vector<16xi32>
    tpu.vector_store %arg6[%swap3A_387], %swap3A_390 {strides = array<i32>} : memref<2048xi32, #tpu.memory_space<vmem>>, vector<16xi32>,
    %get3A_391 = arith.constant 480 : index
    %get3A_392 = tpu.vector_load %arg5[%get3A_391] {strides = array<i32>} : memref<1024xi32, #tpu.memory_space<vmem>>, vector<16xi32>,
    %get3A_393 = vector.shape_cast %get3A_392 : vector<16xi32> to vector<16xi32>
    %add3A_394 = arith.constant 0 : i32
    %add3A_395 = arith.addi %mul3A_2, %add3A_394 : i32
    %mul3A_396 = arith.constant 100000 : i32
    %mul3A_397 = arith.muli %add3A_395, %mul3A_396 : i32
    %add3A_398 = vector.broadcast %mul3A_397 : i32 to vector<16xi32>
    %add3A_399 = arith.addi %get3A_393, %add3A_398 : vector<16xi32>
    %swap3A_400 = arith.constant 480 : index
    %swap3A_401 = tpu.vector_load %arg6[%swap3A_400] {strides = array<i32>} : memref<2048xi32, #tpu.memory_space<vmem>>, vector<16xi32>,
    %swap3A_402 = vector.shape_cast %swap3A_401 : vector<16xi32> to vector<16xi32>
    %swap3A_403 = vector.shape_cast %add3A_399 : vector<16xi32> to vector<16xi32>
    tpu.vector_store %arg6[%swap3A_400], %swap3A_403 {strides = array<i32>} : memref<2048xi32, #tpu.memory_space<vmem>>, vector<16xi32>,
    %get3A_404 = arith.constant 496 : index
    %get3A_405 = tpu.vector_load %arg5[%get3A_404] {strides = array<i32>} : memref<1024xi32, #tpu.memory_space<vmem>>, vector<16xi32>,
    %get3A_406 = vector.shape_cast %get3A_405 : vector<16xi32> to vector<16xi32>
    %add3A_407 = arith.constant 0 : i32
    %add3A_408 = arith.addi %mul3A_2, %add3A_407 : i32
    %mul3A_409 = arith.constant 100000 : i32
    %mul3A_410 = arith.muli %add3A_408, %mul3A_409 : i32
    %add3A_411 = vector.broadcast %mul3A_410 : i32 to vector<16xi32>
    %add3A_412 = arith.addi %get3A_406, %add3A_411 : vector<16xi32>
    %swap3A_413 = arith.constant 496 : index
    %swap3A_414 = tpu.vector_load %arg6[%swap3A_413] {strides = array<i32>} : memref<2048xi32, #tpu.memory_space<vmem>>, vector<16xi32>,
    %swap3A_415 = vector.shape_cast %swap3A_414 : vector<16xi32> to vector<16xi32>
    %swap3A_416 = vector.shape_cast %add3A_412 : vector<16xi32> to vector<16xi32>
    tpu.vector_store %arg6[%swap3A_413], %swap3A_416 {strides = array<i32>} : memref<2048xi32, #tpu.memory_space<vmem>>, vector<16xi32>,
    %get3A_417 = arith.constant 512 : index
    %get3A_418 = tpu.vector_load %arg5[%get3A_417] {strides = array<i32>} : memref<1024xi32, #tpu.memory_space<vmem>>, vector<16xi32>,
    %get3A_419 = vector.shape_cast %get3A_418 : vector<16xi32> to vector<16xi32>
    %add3A_420 = arith.constant 0 : i32
    %add3A_421 = arith.addi %mul3A_2, %add3A_420 : i32
    %mul3A_422 = arith.constant 100000 : i32
    %mul3A_423 = arith.muli %add3A_421, %mul3A_422 : i32
    %add3A_424 = vector.broadcast %mul3A_423 : i32 to vector<16xi32>
    %add3A_425 = arith.addi %get3A_419, %add3A_424 : vector<16xi32>
    %swap3A_426 = arith.constant 512 : index
    %swap3A_427 = tpu.vector_load %arg6[%swap3A_426] {strides = array<i32>} : memref<2048xi32, #tpu.memory_space<vmem>>, vector<16xi32>,
    %swap3A_428 = vector.shape_cast %swap3A_427 : vector<16xi32> to vector<16xi32>
    %swap3A_429 = vector.shape_cast %add3A_425 : vector<16xi32> to vector<16xi32>
    tpu.vector_store %arg6[%swap3A_426], %swap3A_429 {strides = array<i32>} : memref<2048xi32, #tpu.memory_space<vmem>>, vector<16xi32>,
    %get3A_430 = arith.constant 528 : index
    %get3A_431 = tpu.vector_load %arg5[%get3A_430] {strides = array<i32>} : memref<1024xi32, #tpu.memory_space<vmem>>, vector<16xi32>,
    %get3A_432 = vector.shape_cast %get3A_431 : vector<16xi32> to vector<16xi32>
    %add3A_433 = arith.constant 0 : i32
    %add3A_434 = arith.addi %mul3A_2, %add3A_433 : i32
    %mul3A_435 = arith.constant 100000 : i32
    %mul3A_436 = arith.muli %add3A_434, %mul3A_435 : i32
    %add3A_437 = vector.broadcast %mul3A_436 : i32 to vector<16xi32>
    %add3A_438 = arith.addi %get3A_432, %add3A_437 : vector<16xi32>
    %swap3A_439 = arith.constant 528 : index
    %swap3A_440 = tpu.vector_load %arg6[%swap3A_439] {strides = array<i32>} : memref<2048xi32, #tpu.memory_space<vmem>>, vector<16xi32>,
    %swap3A_441 = vector.shape_cast %swap3A_440 : vector<16xi32> to vector<16xi32>
    %swap3A_442 = vector.shape_cast %add3A_438 : vector<16xi32> to vector<16xi32>
    tpu.vector_store %arg6[%swap3A_439], %swap3A_442 {strides = array<i32>} : memref<2048xi32, #tpu.memory_space<vmem>>, vector<16xi32>,
    %get3A_443 = arith.constant 544 : index
    %get3A_444 = tpu.vector_load %arg5[%get3A_443] {strides = array<i32>} : memref<1024xi32, #tpu.memory_space<vmem>>, vector<16xi32>,
    %get3A_445 = vector.shape_cast %get3A_444 : vector<16xi32> to vector<16xi32>
    %add3A_446 = arith.constant 0 : i32
    %add3A_447 = arith.addi %mul3A_2, %add3A_446 : i32
    %mul3A_448 = arith.constant 100000 : i32
    %mul3A_449 = arith.muli %add3A_447, %mul3A_448 : i32
    %add3A_450 = vector.broadcast %mul3A_449 : i32 to vector<16xi32>
    %add3A_451 = arith.addi %get3A_445, %add3A_450 : vector<16xi32>
    %swap3A_452 = arith.constant 544 : index
    %swap3A_453 = tpu.vector_load %arg6[%swap3A_452] {strides = array<i32>} : memref<2048xi32, #tpu.memory_space<vmem>>, vector<16xi32>,
    %swap3A_454 = vector.shape_cast %swap3A_453 : vector<16xi32> to vector<16xi32>
    %swap3A_455 = vector.shape_cast %add3A_451 : vector<16xi32> to vector<16xi32>
    tpu.vector_store %arg6[%swap3A_452], %swap3A_455 {strides = array<i32>} : memref<2048xi32, #tpu.memory_space<vmem>>, vector<16xi32>,
    %get3A_456 = arith.constant 560 : index
    %get3A_457 = tpu.vector_load %arg5[%get3A_456] {strides = array<i32>} : memref<1024xi32, #tpu.memory_space<vmem>>, vector<16xi32>,
    %get3A_458 = vector.shape_cast %get3A_457 : vector<16xi32> to vector<16xi32>
    %add3A_459 = arith.constant 0 : i32
    %add3A_460 = arith.addi %mul3A_2, %add3A_459 : i32
    %mul3A_461 = arith.constant 100000 : i32
    %mul3A_462 = arith.muli %add3A_460, %mul3A_461 : i32
    %add3A_463 = vector.broadcast %mul3A_462 : i32 to vector<16xi32>
    %add3A_464 = arith.addi %get3A_458, %add3A_463 : vector<16xi32>
    %swap3A_465 = arith.constant 560 : index
    %swap3A_466 = tpu.vector_load %arg6[%swap3A_465] {strides = array<i32>} : memref<2048xi32, #tpu.memory_space<vmem>>, vector<16xi32>,
    %swap3A_467 = vector.shape_cast %swap3A_466 : vector<16xi32> to vector<16xi32>
    %swap3A_468 = vector.shape_cast %add3A_464 : vector<16xi32> to vector<16xi32>
    tpu.vector_store %arg6[%swap3A_465], %swap3A_468 {strides = array<i32>} : memref<2048xi32, #tpu.memory_space<vmem>>, vector<16xi32>,
    %get3A_469 = arith.constant 576 : index
    %get3A_470 = tpu.vector_load %arg5[%get3A_469] {strides = array<i32>} : memref<1024xi32, #tpu.memory_space<vmem>>, vector<16xi32>,
    %get3A_471 = vector.shape_cast %get3A_470 : vector<16xi32> to vector<16xi32>
    %add3A_472 = arith.constant 0 : i32
    %add3A_473 = arith.addi %mul3A_2, %add3A_472 : i32
    %mul3A_474 = arith.constant 100000 : i32
    %mul3A_475 = arith.muli %add3A_473, %mul3A_474 : i32
    %add3A_476 = vector.broadcast %mul3A_475 : i32 to vector<16xi32>
    %add3A_477 = arith.addi %get3A_471, %add3A_476 : vector<16xi32>
    %swap3A_478 = arith.constant 576 : index
    %swap3A_479 = tpu.vector_load %arg6[%swap3A_478] {strides = array<i32>} : memref<2048xi32, #tpu.memory_space<vmem>>, vector<16xi32>,
    %swap3A_480 = vector.shape_cast %swap3A_479 : vector<16xi32> to vector<16xi32>
    %swap3A_481 = vector.shape_cast %add3A_477 : vector<16xi32> to vector<16xi32>
    tpu.vector_store %arg6[%swap3A_478], %swap3A_481 {strides = array<i32>} : memref<2048xi32, #tpu.memory_space<vmem>>, vector<16xi32>,
    %get3A_482 = arith.constant 592 : index
    %get3A_483 = tpu.vector_load %arg5[%get3A_482] {strides = array<i32>} : memref<1024xi32, #tpu.memory_space<vmem>>, vector<16xi32>,
    %get3A_484 = vector.shape_cast %get3A_483 : vector<16xi32> to vector<16xi32>
    %add3A_485 = arith.constant 0 : i32
    %add3A_486 = arith.addi %mul3A_2, %add3A_485 : i32
    %mul3A_487 = arith.constant 100000 : i32
    %mul3A_488 = arith.muli %add3A_486, %mul3A_487 : i32
    %add3A_489 = vector.broadcast %mul3A_488 : i32 to vector<16xi32>
    %add3A_490 = arith.addi %get3A_484, %add3A_489 : vector<16xi32>
    %swap3A_491 = arith.constant 592 : index
    %swap3A_492 = tpu.vector_load %arg6[%swap3A_491] {strides = array<i32>} : memref<2048xi32, #tpu.memory_space<vmem>>, vector<16xi32>,
    %swap3A_493 = vector.shape_cast %swap3A_492 : vector<16xi32> to vector<16xi32>
    %swap3A_494 = vector.shape_cast %add3A_490 : vector<16xi32> to vector<16xi32>
    tpu.vector_store %arg6[%swap3A_491], %swap3A_494 {strides = array<i32>} : memref<2048xi32, #tpu.memory_space<vmem>>, vector<16xi32>,
    %get3A_495 = arith.constant 608 : index
    %get3A_496 = tpu.vector_load %arg5[%get3A_495] {strides = array<i32>} : memref<1024xi32, #tpu.memory_space<vmem>>, vector<16xi32>,
    %get3A_497 = vector.shape_cast %get3A_496 : vector<16xi32> to vector<16xi32>
    %add3A_498 = arith.constant 0 : i32
    %add3A_499 = arith.addi %mul3A_2, %add3A_498 : i32
    %mul3A_500 = arith.constant 100000 : i32
    %mul3A_501 = arith.muli %add3A_499, %mul3A_500 : i32
    %add3A_502 = vector.broadcast %mul3A_501 : i32 to vector<16xi32>
    %add3A_503 = arith.addi %get3A_497, %add3A_502 : vector<16xi32>
    %swap3A_504 = arith.constant 608 : index
    %swap3A_505 = tpu.vector_load %arg6[%swap3A_504] {strides = array<i32>} : memref<2048xi32, #tpu.memory_space<vmem>>, vector<16xi32>,
    %swap3A_506 = vector.shape_cast %swap3A_505 : vector<16xi32> to vector<16xi32>
    %swap3A_507 = vector.shape_cast %add3A_503 : vector<16xi32> to vector<16xi32>
    tpu.vector_store %arg6[%swap3A_504], %swap3A_507 {strides = array<i32>} : memref<2048xi32, #tpu.memory_space<vmem>>, vector<16xi32>,
    %get3A_508 = arith.constant 624 : index
    %get3A_509 = tpu.vector_load %arg5[%get3A_508] {strides = array<i32>} : memref<1024xi32, #tpu.memory_space<vmem>>, vector<16xi32>,
    %get3A_510 = vector.shape_cast %get3A_509 : vector<16xi32> to vector<16xi32>
    %add3A_511 = arith.constant 0 : i32
    %add3A_512 = arith.addi %mul3A_2, %add3A_511 : i32
    %mul3A_513 = arith.constant 100000 : i32
    %mul3A_514 = arith.muli %add3A_512, %mul3A_513 : i32
    %add3A_515 = vector.broadcast %mul3A_514 : i32 to vector<16xi32>
    %add3A_516 = arith.addi %get3A_510, %add3A_515 : vector<16xi32>
    %swap3A_517 = arith.constant 624 : index
    %swap3A_518 = tpu.vector_load %arg6[%swap3A_517] {strides = array<i32>} : memref<2048xi32, #tpu.memory_space<vmem>>, vector<16xi32>,
    %swap3A_519 = vector.shape_cast %swap3A_518 : vector<16xi32> to vector<16xi32>
    %swap3A_520 = vector.shape_cast %add3A_516 : vector<16xi32> to vector<16xi32>
    tpu.vector_store %arg6[%swap3A_517], %swap3A_520 {strides = array<i32>} : memref<2048xi32, #tpu.memory_space<vmem>>, vector<16xi32>,
    %get3A_521 = arith.constant 640 : index
    %get3A_522 = tpu.vector_load %arg5[%get3A_521] {strides = array<i32>} : memref<1024xi32, #tpu.memory_space<vmem>>, vector<16xi32>,
    %get3A_523 = vector.shape_cast %get3A_522 : vector<16xi32> to vector<16xi32>
    %add3A_524 = arith.constant 0 : i32
    %add3A_525 = arith.addi %mul3A_2, %add3A_524 : i32
    %mul3A_526 = arith.constant 100000 : i32
    %mul3A_527 = arith.muli %add3A_525, %mul3A_526 : i32
    %add3A_528 = vector.broadcast %mul3A_527 : i32 to vector<16xi32>
    %add3A_529 = arith.addi %get3A_523, %add3A_528 : vector<16xi32>
    %swap3A_530 = arith.constant 640 : index
    %swap3A_531 = tpu.vector_load %arg6[%swap3A_530] {strides = array<i32>} : memref<2048xi32, #tpu.memory_space<vmem>>, vector<16xi32>,
    %swap3A_532 = vector.shape_cast %swap3A_531 : vector<16xi32> to vector<16xi32>
    %swap3A_533 = vector.shape_cast %add3A_529 : vector<16xi32> to vector<16xi32>
    tpu.vector_store %arg6[%swap3A_530], %swap3A_533 {strides = array<i32>} : memref<2048xi32, #tpu.memory_space<vmem>>, vector<16xi32>,
    %get3A_534 = arith.constant 656 : index
    %get3A_535 = tpu.vector_load %arg5[%get3A_534] {strides = array<i32>} : memref<1024xi32, #tpu.memory_space<vmem>>, vector<16xi32>,
    %get3A_536 = vector.shape_cast %get3A_535 : vector<16xi32> to vector<16xi32>
    %add3A_537 = arith.constant 0 : i32
    %add3A_538 = arith.addi %mul3A_2, %add3A_537 : i32
    %mul3A_539 = arith.constant 100000 : i32
    %mul3A_540 = arith.muli %add3A_538, %mul3A_539 : i32
    %add3A_541 = vector.broadcast %mul3A_540 : i32 to vector<16xi32>
    %add3A_542 = arith.addi %get3A_536, %add3A_541 : vector<16xi32>
    %swap3A_543 = arith.constant 656 : index
    %swap3A_544 = tpu.vector_load %arg6[%swap3A_543] {strides = array<i32>} : memref<2048xi32, #tpu.memory_space<vmem>>, vector<16xi32>,
    %swap3A_545 = vector.shape_cast %swap3A_544 : vector<16xi32> to vector<16xi32>
    %swap3A_546 = vector.shape_cast %add3A_542 : vector<16xi32> to vector<16xi32>
    tpu.vector_store %arg6[%swap3A_543], %swap3A_546 {strides = array<i32>} : memref<2048xi32, #tpu.memory_space<vmem>>, vector<16xi32>,
    %get3A_547 = arith.constant 672 : index
    %get3A_548 = tpu.vector_load %arg5[%get3A_547] {strides = array<i32>} : memref<1024xi32, #tpu.memory_space<vmem>>, vector<16xi32>,
    %get3A_549 = vector.shape_cast %get3A_548 : vector<16xi32> to vector<16xi32>
    %add3A_550 = arith.constant 0 : i32
    %add3A_551 = arith.addi %mul3A_2, %add3A_550 : i32
    %mul3A_552 = arith.constant 100000 : i32
    %mul3A_553 = arith.muli %add3A_551, %mul3A_552 : i32
    %add3A_554 = vector.broadcast %mul3A_553 : i32 to vector<16xi32>
    %add3A_555 = arith.addi %get3A_549, %add3A_554 : vector<16xi32>
    %swap3A_556 = arith.constant 672 : index
    %swap3A_557 = tpu.vector_load %arg6[%swap3A_556] {strides = array<i32>} : memref<2048xi32, #tpu.memory_space<vmem>>, vector<16xi32>,
    %swap3A_558 = vector.shape_cast %swap3A_557 : vector<16xi32> to vector<16xi32>
    %swap3A_559 = vector.shape_cast %add3A_555 : vector<16xi32> to vector<16xi32>
    tpu.vector_store %arg6[%swap3A_556], %swap3A_559 {strides = array<i32>} : memref<2048xi32, #tpu.memory_space<vmem>>, vector<16xi32>,
    %get3A_560 = arith.constant 688 : index
    %get3A_561 = tpu.vector_load %arg5[%get3A_560] {strides = array<i32>} : memref<1024xi32, #tpu.memory_space<vmem>>, vector<16xi32>,
    %get3A_562 = vector.shape_cast %get3A_561 : vector<16xi32> to vector<16xi32>
    %add3A_563 = arith.constant 0 : i32
    %add3A_564 = arith.addi %mul3A_2, %add3A_563 : i32
    %mul3A_565 = arith.constant 100000 : i32
    %mul3A_566 = arith.muli %add3A_564, %mul3A_565 : i32
    %add3A_567 = vector.broadcast %mul3A_566 : i32 to vector<16xi32>
    %add3A_568 = arith.addi %get3A_562, %add3A_567 : vector<16xi32>
    %swap3A_569 = arith.constant 688 : index
    %swap3A_570 = tpu.vector_load %arg6[%swap3A_569] {strides = array<i32>} : memref<2048xi32, #tpu.memory_space<vmem>>, vector<16xi32>,
    %swap3A_571 = vector.shape_cast %swap3A_570 : vector<16xi32> to vector<16xi32>
    %swap3A_572 = vector.shape_cast %add3A_568 : vector<16xi32> to vector<16xi32>
    tpu.vector_store %arg6[%swap3A_569], %swap3A_572 {strides = array<i32>} : memref<2048xi32, #tpu.memory_space<vmem>>, vector<16xi32>,
    %get3A_573 = arith.constant 704 : index
    %get3A_574 = tpu.vector_load %arg5[%get3A_573] {strides = array<i32>} : memref<1024xi32, #tpu.memory_space<vmem>>, vector<16xi32>,
    %get3A_575 = vector.shape_cast %get3A_574 : vector<16xi32> to vector<16xi32>
    %add3A_576 = arith.constant 0 : i32
    %add3A_577 = arith.addi %mul3A_2, %add3A_576 : i32
    %mul3A_578 = arith.constant 100000 : i32
    %mul3A_579 = arith.muli %add3A_577, %mul3A_578 : i32
    %add3A_580 = vector.broadcast %mul3A_579 : i32 to vector<16xi32>
    %add3A_581 = arith.addi %get3A_575, %add3A_580 : vector<16xi32>
    %swap3A_582 = arith.constant 704 : index
    %swap3A_583 = tpu.vector_load %arg6[%swap3A_582] {strides = array<i32>} : memref<2048xi32, #tpu.memory_space<vmem>>, vector<16xi32>,
    %swap3A_584 = vector.shape_cast %swap3A_583 : vector<16xi32> to vector<16xi32>
    %swap3A_585 = vector.shape_cast %add3A_581 : vector<16xi32> to vector<16xi32>
    tpu.vector_store %arg6[%swap3A_582], %swap3A_585 {strides = array<i32>} : memref<2048xi32, #tpu.memory_space<vmem>>, vector<16xi32>,
    %get3A_586 = arith.constant 720 : index
    %get3A_587 = tpu.vector_load %arg5[%get3A_586] {strides = array<i32>} : memref<1024xi32, #tpu.memory_space<vmem>>, vector<16xi32>,
    %get3A_588 = vector.shape_cast %get3A_587 : vector<16xi32> to vector<16xi32>
    %add3A_589 = arith.constant 0 : i32
    %add3A_590 = arith.addi %mul3A_2, %add3A_589 : i32
    %mul3A_591 = arith.constant 100000 : i32
    %mul3A_592 = arith.muli %add3A_590, %mul3A_591 : i32
    %add3A_593 = vector.broadcast %mul3A_592 : i32 to vector<16xi32>
    %add3A_594 = arith.addi %get3A_588, %add3A_593 : vector<16xi32>
    %swap3A_595 = arith.constant 720 : index
    %swap3A_596 = tpu.vector_load %arg6[%swap3A_595] {strides = array<i32>} : memref<2048xi32, #tpu.memory_space<vmem>>, vector<16xi32>,
    %swap3A_597 = vector.shape_cast %swap3A_596 : vector<16xi32> to vector<16xi32>
    %swap3A_598 = vector.shape_cast %add3A_594 : vector<16xi32> to vector<16xi32>
    tpu.vector_store %arg6[%swap3A_595], %swap3A_598 {strides = array<i32>} : memref<2048xi32, #tpu.memory_space<vmem>>, vector<16xi32>,
    %get3A_599 = arith.constant 736 : index
    %get3A_600 = tpu.vector_load %arg5[%get3A_599] {strides = array<i32>} : memref<1024xi32, #tpu.memory_space<vmem>>, vector<16xi32>,
    %get3A_601 = vector.shape_cast %get3A_600 : vector<16xi32> to vector<16xi32>
    %add3A_602 = arith.constant 0 : i32
    %add3A_603 = arith.addi %mul3A_2, %add3A_602 : i32
    %mul3A_604 = arith.constant 100000 : i32
    %mul3A_605 = arith.muli %add3A_603, %mul3A_604 : i32
    %add3A_606 = vector.broadcast %mul3A_605 : i32 to vector<16xi32>
    %add3A_607 = arith.addi %get3A_601, %add3A_606 : vector<16xi32>
    %swap3A_608 = arith.constant 736 : index
    %swap3A_609 = tpu.vector_load %arg6[%swap3A_608] {strides = array<i32>} : memref<2048xi32, #tpu.memory_space<vmem>>, vector<16xi32>,
    %swap3A_610 = vector.shape_cast %swap3A_609 : vector<16xi32> to vector<16xi32>
    %swap3A_611 = vector.shape_cast %add3A_607 : vector<16xi32> to vector<16xi32>
    tpu.vector_store %arg6[%swap3A_608], %swap3A_611 {strides = array<i32>} : memref<2048xi32, #tpu.memory_space<vmem>>, vector<16xi32>,
    %get3A_612 = arith.constant 752 : index
    %get3A_613 = tpu.vector_load %arg5[%get3A_612] {strides = array<i32>} : memref<1024xi32, #tpu.memory_space<vmem>>, vector<16xi32>,
    %get3A_614 = vector.shape_cast %get3A_613 : vector<16xi32> to vector<16xi32>
    %add3A_615 = arith.constant 0 : i32
    %add3A_616 = arith.addi %mul3A_2, %add3A_615 : i32
    %mul3A_617 = arith.constant 100000 : i32
    %mul3A_618 = arith.muli %add3A_616, %mul3A_617 : i32
    %add3A_619 = vector.broadcast %mul3A_618 : i32 to vector<16xi32>
    %add3A_620 = arith.addi %get3A_614, %add3A_619 : vector<16xi32>
    %swap3A_621 = arith.constant 752 : index
    %swap3A_622 = tpu.vector_load %arg6[%swap3A_621] {strides = array<i32>} : memref<2048xi32, #tpu.memory_space<vmem>>, vector<16xi32>,
    %swap3A_623 = vector.shape_cast %swap3A_622 : vector<16xi32> to vector<16xi32>
    %swap3A_624 = vector.shape_cast %add3A_620 : vector<16xi32> to vector<16xi32>
    tpu.vector_store %arg6[%swap3A_621], %swap3A_624 {strides = array<i32>} : memref<2048xi32, #tpu.memory_space<vmem>>, vector<16xi32>,
    %get3A_625 = arith.constant 768 : index
    %get3A_626 = tpu.vector_load %arg5[%get3A_625] {strides = array<i32>} : memref<1024xi32, #tpu.memory_space<vmem>>, vector<16xi32>,
    %get3A_627 = vector.shape_cast %get3A_626 : vector<16xi32> to vector<16xi32>
    %add3A_628 = arith.constant 0 : i32
    %add3A_629 = arith.addi %mul3A_2, %add3A_628 : i32
    %mul3A_630 = arith.constant 100000 : i32
    %mul3A_631 = arith.muli %add3A_629, %mul3A_630 : i32
    %add3A_632 = vector.broadcast %mul3A_631 : i32 to vector<16xi32>
    %add3A_633 = arith.addi %get3A_627, %add3A_632 : vector<16xi32>
    %swap3A_634 = arith.constant 768 : index
    %swap3A_635 = tpu.vector_load %arg6[%swap3A_634] {strides = array<i32>} : memref<2048xi32, #tpu.memory_space<vmem>>, vector<16xi32>,
    %swap3A_636 = vector.shape_cast %swap3A_635 : vector<16xi32> to vector<16xi32>
    %swap3A_637 = vector.shape_cast %add3A_633 : vector<16xi32> to vector<16xi32>
    tpu.vector_store %arg6[%swap3A_634], %swap3A_637 {strides = array<i32>} : memref<2048xi32, #tpu.memory_space<vmem>>, vector<16xi32>,
    %get3A_638 = arith.constant 784 : index
    %get3A_639 = tpu.vector_load %arg5[%get3A_638] {strides = array<i32>} : memref<1024xi32, #tpu.memory_space<vmem>>, vector<16xi32>,
    %get3A_640 = vector.shape_cast %get3A_639 : vector<16xi32> to vector<16xi32>
    %add3A_641 = arith.constant 0 : i32
    %add3A_642 = arith.addi %mul3A_2, %add3A_641 : i32
    %mul3A_643 = arith.constant 100000 : i32
    %mul3A_644 = arith.muli %add3A_642, %mul3A_643 : i32
    %add3A_645 = vector.broadcast %mul3A_644 : i32 to vector<16xi32>
    %add3A_646 = arith.addi %get3A_640, %add3A_645 : vector<16xi32>
    %swap3A_647 = arith.constant 784 : index
    %swap3A_648 = tpu.vector_load %arg6[%swap3A_647] {strides = array<i32>} : memref<2048xi32, #tpu.memory_space<vmem>>, vector<16xi32>,
    %swap3A_649 = vector.shape_cast %swap3A_648 : vector<16xi32> to vector<16xi32>
    %swap3A_650 = vector.shape_cast %add3A_646 : vector<16xi32> to vector<16xi32>
    tpu.vector_store %arg6[%swap3A_647], %swap3A_650 {strides = array<i32>} : memref<2048xi32, #tpu.memory_space<vmem>>, vector<16xi32>,
    %get3A_651 = arith.constant 800 : index
    %get3A_652 = tpu.vector_load %arg5[%get3A_651] {strides = array<i32>} : memref<1024xi32, #tpu.memory_space<vmem>>, vector<16xi32>,
    %get3A_653 = vector.shape_cast %get3A_652 : vector<16xi32> to vector<16xi32>
    %add3A_654 = arith.constant 0 : i32
    %add3A_655 = arith.addi %mul3A_2, %add3A_654 : i32
    %mul3A_656 = arith.constant 100000 : i32
    %mul3A_657 = arith.muli %add3A_655, %mul3A_656 : i32
    %add3A_658 = vector.broadcast %mul3A_657 : i32 to vector<16xi32>
    %add3A_659 = arith.addi %get3A_653, %add3A_658 : vector<16xi32>
    %swap3A_660 = arith.constant 800 : index
    %swap3A_661 = tpu.vector_load %arg6[%swap3A_660] {strides = array<i32>} : memref<2048xi32, #tpu.memory_space<vmem>>, vector<16xi32>,
    %swap3A_662 = vector.shape_cast %swap3A_661 : vector<16xi32> to vector<16xi32>
    %swap3A_663 = vector.shape_cast %add3A_659 : vector<16xi32> to vector<16xi32>
    tpu.vector_store %arg6[%swap3A_660], %swap3A_663 {strides = array<i32>} : memref<2048xi32, #tpu.memory_space<vmem>>, vector<16xi32>,
    %get3A_664 = arith.constant 816 : index
    %get3A_665 = tpu.vector_load %arg5[%get3A_664] {strides = array<i32>} : memref<1024xi32, #tpu.memory_space<vmem>>, vector<16xi32>,
    %get3A_666 = vector.shape_cast %get3A_665 : vector<16xi32> to vector<16xi32>
    %add3A_667 = arith.constant 0 : i32
    %add3A_668 = arith.addi %mul3A_2, %add3A_667 : i32
    %mul3A_669 = arith.constant 100000 : i32
    %mul3A_670 = arith.muli %add3A_668, %mul3A_669 : i32
    %add3A_671 = vector.broadcast %mul3A_670 : i32 to vector<16xi32>
    %add3A_672 = arith.addi %get3A_666, %add3A_671 : vector<16xi32>
    %swap3A_673 = arith.constant 816 : index
    %swap3A_674 = tpu.vector_load %arg6[%swap3A_673] {strides = array<i32>} : memref<2048xi32, #tpu.memory_space<vmem>>, vector<16xi32>,
    %swap3A_675 = vector.shape_cast %swap3A_674 : vector<16xi32> to vector<16xi32>
    %swap3A_676 = vector.shape_cast %add3A_672 : vector<16xi32> to vector<16xi32>
    tpu.vector_store %arg6[%swap3A_673], %swap3A_676 {strides = array<i32>} : memref<2048xi32, #tpu.memory_space<vmem>>, vector<16xi32>,
    %get3A_677 = arith.constant 832 : index
    %get3A_678 = tpu.vector_load %arg5[%get3A_677] {strides = array<i32>} : memref<1024xi32, #tpu.memory_space<vmem>>, vector<16xi32>,
    %get3A_679 = vector.shape_cast %get3A_678 : vector<16xi32> to vector<16xi32>
    %add3A_680 = arith.constant 0 : i32
    %add3A_681 = arith.addi %mul3A_2, %add3A_680 : i32
    %mul3A_682 = arith.constant 100000 : i32
    %mul3A_683 = arith.muli %add3A_681, %mul3A_682 : i32
    %add3A_684 = vector.broadcast %mul3A_683 : i32 to vector<16xi32>
    %add3A_685 = arith.addi %get3A_679, %add3A_684 : vector<16xi32>
    %swap3A_686 = arith.constant 832 : index
    %swap3A_687 = tpu.vector_load %arg6[%swap3A_686] {strides = array<i32>} : memref<2048xi32, #tpu.memory_space<vmem>>, vector<16xi32>,
    %swap3A_688 = vector.shape_cast %swap3A_687 : vector<16xi32> to vector<16xi32>
    %swap3A_689 = vector.shape_cast %add3A_685 : vector<16xi32> to vector<16xi32>
    tpu.vector_store %arg6[%swap3A_686], %swap3A_689 {strides = array<i32>} : memref<2048xi32, #tpu.memory_space<vmem>>, vector<16xi32>,
    %get3A_690 = arith.constant 848 : index
    %get3A_691 = tpu.vector_load %arg5[%get3A_690] {strides = array<i32>} : memref<1024xi32, #tpu.memory_space<vmem>>, vector<16xi32>,
    %get3A_692 = vector.shape_cast %get3A_691 : vector<16xi32> to vector<16xi32>
    %add3A_693 = arith.constant 0 : i32
    %add3A_694 = arith.addi %mul3A_2, %add3A_693 : i32
    %mul3A_695 = arith.constant 100000 : i32
    %mul3A_696 = arith.muli %add3A_694, %mul3A_695 : i32
    %add3A_697 = vector.broadcast %mul3A_696 : i32 to vector<16xi32>
    %add3A_698 = arith.addi %get3A_692, %add3A_697 : vector<16xi32>
    %swap3A_699 = arith.constant 848 : index
    %swap3A_700 = tpu.vector_load %arg6[%swap3A_699] {strides = array<i32>} : memref<2048xi32, #tpu.memory_space<vmem>>, vector<16xi32>,
    %swap3A_701 = vector.shape_cast %swap3A_700 : vector<16xi32> to vector<16xi32>
    %swap3A_702 = vector.shape_cast %add3A_698 : vector<16xi32> to vector<16xi32>
    tpu.vector_store %arg6[%swap3A_699], %swap3A_702 {strides = array<i32>} : memref<2048xi32, #tpu.memory_space<vmem>>, vector<16xi32>,
    %get3A_703 = arith.constant 864 : index
    %get3A_704 = tpu.vector_load %arg5[%get3A_703] {strides = array<i32>} : memref<1024xi32, #tpu.memory_space<vmem>>, vector<16xi32>,
    %get3A_705 = vector.shape_cast %get3A_704 : vector<16xi32> to vector<16xi32>
    %add3A_706 = arith.constant 0 : i32
    %add3A_707 = arith.addi %mul3A_2, %add3A_706 : i32
    %mul3A_708 = arith.constant 100000 : i32
    %mul3A_709 = arith.muli %add3A_707, %mul3A_708 : i32
    %add3A_710 = vector.broadcast %mul3A_709 : i32 to vector<16xi32>
    %add3A_711 = arith.addi %get3A_705, %add3A_710 : vector<16xi32>
    %swap3A_712 = arith.constant 864 : index
    %swap3A_713 = tpu.vector_load %arg6[%swap3A_712] {strides = array<i32>} : memref<2048xi32, #tpu.memory_space<vmem>>, vector<16xi32>,
    %swap3A_714 = vector.shape_cast %swap3A_713 : vector<16xi32> to vector<16xi32>
    %swap3A_715 = vector.shape_cast %add3A_711 : vector<16xi32> to vector<16xi32>
    tpu.vector_store %arg6[%swap3A_712], %swap3A_715 {strides = array<i32>} : memref<2048xi32, #tpu.memory_space<vmem>>, vector<16xi32>,
    %get3A_716 = arith.constant 880 : index
    %get3A_717 = tpu.vector_load %arg5[%get3A_716] {strides = array<i32>} : memref<1024xi32, #tpu.memory_space<vmem>>, vector<16xi32>,
    %get3A_718 = vector.shape_cast %get3A_717 : vector<16xi32> to vector<16xi32>
    %add3A_719 = arith.constant 0 : i32
    %add3A_720 = arith.addi %mul3A_2, %add3A_719 : i32
    %mul3A_721 = arith.constant 100000 : i32
    %mul3A_722 = arith.muli %add3A_720, %mul3A_721 : i32
    %add3A_723 = vector.broadcast %mul3A_722 : i32 to vector<16xi32>
    %add3A_724 = arith.addi %get3A_718, %add3A_723 : vector<16xi32>
    %swap3A_725 = arith.constant 880 : index
    %swap3A_726 = tpu.vector_load %arg6[%swap3A_725] {strides = array<i32>} : memref<2048xi32, #tpu.memory_space<vmem>>, vector<16xi32>,
    %swap3A_727 = vector.shape_cast %swap3A_726 : vector<16xi32> to vector<16xi32>
    %swap3A_728 = vector.shape_cast %add3A_724 : vector<16xi32> to vector<16xi32>
    tpu.vector_store %arg6[%swap3A_725], %swap3A_728 {strides = array<i32>} : memref<2048xi32, #tpu.memory_space<vmem>>, vector<16xi32>,
    %get3A_729 = arith.constant 896 : index
    %get3A_730 = tpu.vector_load %arg5[%get3A_729] {strides = array<i32>} : memref<1024xi32, #tpu.memory_space<vmem>>, vector<16xi32>,
    %get3A_731 = vector.shape_cast %get3A_730 : vector<16xi32> to vector<16xi32>
    %add3A_732 = arith.constant 0 : i32
    %add3A_733 = arith.addi %mul3A_2, %add3A_732 : i32
    %mul3A_734 = arith.constant 100000 : i32
    %mul3A_735 = arith.muli %add3A_733, %mul3A_734 : i32
    %add3A_736 = vector.broadcast %mul3A_735 : i32 to vector<16xi32>
    %add3A_737 = arith.addi %get3A_731, %add3A_736 : vector<16xi32>
    %swap3A_738 = arith.constant 896 : index
    %swap3A_739 = tpu.vector_load %arg6[%swap3A_738] {strides = array<i32>} : memref<2048xi32, #tpu.memory_space<vmem>>, vector<16xi32>,
    %swap3A_740 = vector.shape_cast %swap3A_739 : vector<16xi32> to vector<16xi32>
    %swap3A_741 = vector.shape_cast %add3A_737 : vector<16xi32> to vector<16xi32>
    tpu.vector_store %arg6[%swap3A_738], %swap3A_741 {strides = array<i32>} : memref<2048xi32, #tpu.memory_space<vmem>>, vector<16xi32>,
    %get3A_742 = arith.constant 912 : index
    %get3A_743 = tpu.vector_load %arg5[%get3A_742] {strides = array<i32>} : memref<1024xi32, #tpu.memory_space<vmem>>, vector<16xi32>,
    %get3A_744 = vector.shape_cast %get3A_743 : vector<16xi32> to vector<16xi32>
    %add3A_745 = arith.constant 0 : i32
    %add3A_746 = arith.addi %mul3A_2, %add3A_745 : i32
    %mul3A_747 = arith.constant 100000 : i32
    %mul3A_748 = arith.muli %add3A_746, %mul3A_747 : i32
    %add3A_749 = vector.broadcast %mul3A_748 : i32 to vector<16xi32>
    %add3A_750 = arith.addi %get3A_744, %add3A_749 : vector<16xi32>
    %swap3A_751 = arith.constant 912 : index
    %swap3A_752 = tpu.vector_load %arg6[%swap3A_751] {strides = array<i32>} : memref<2048xi32, #tpu.memory_space<vmem>>, vector<16xi32>,
    %swap3A_753 = vector.shape_cast %swap3A_752 : vector<16xi32> to vector<16xi32>
    %swap3A_754 = vector.shape_cast %add3A_750 : vector<16xi32> to vector<16xi32>
    tpu.vector_store %arg6[%swap3A_751], %swap3A_754 {strides = array<i32>} : memref<2048xi32, #tpu.memory_space<vmem>>, vector<16xi32>,
    %get3A_755 = arith.constant 928 : index
    %get3A_756 = tpu.vector_load %arg5[%get3A_755] {strides = array<i32>} : memref<1024xi32, #tpu.memory_space<vmem>>, vector<16xi32>,
    %get3A_757 = vector.shape_cast %get3A_756 : vector<16xi32> to vector<16xi32>
    %add3A_758 = arith.constant 0 : i32
    %add3A_759 = arith.addi %mul3A_2, %add3A_758 : i32
    %mul3A_760 = arith.constant 100000 : i32
    %mul3A_761 = arith.muli %add3A_759, %mul3A_760 : i32
    %add3A_762 = vector.broadcast %mul3A_761 : i32 to vector<16xi32>
    %add3A_763 = arith.addi %get3A_757, %add3A_762 : vector<16xi32>
    %swap3A_764 = arith.constant 928 : index
    %swap3A_765 = tpu.vector_load %arg6[%swap3A_764] {strides = array<i32>} : memref<2048xi32, #tpu.memory_space<vmem>>, vector<16xi32>,
    %swap3A_766 = vector.shape_cast %swap3A_765 : vector<16xi32> to vector<16xi32>
    %swap3A_767 = vector.shape_cast %add3A_763 : vector<16xi32> to vector<16xi32>
    tpu.vector_store %arg6[%swap3A_764], %swap3A_767 {strides = array<i32>} : memref<2048xi32, #tpu.memory_space<vmem>>, vector<16xi32>,
    %get3A_768 = arith.constant 944 : index
    %get3A_769 = tpu.vector_load %arg5[%get3A_768] {strides = array<i32>} : memref<1024xi32, #tpu.memory_space<vmem>>, vector<16xi32>,
    %get3A_770 = vector.shape_cast %get3A_769 : vector<16xi32> to vector<16xi32>
    %add3A_771 = arith.constant 0 : i32
    %add3A_772 = arith.addi %mul3A_2, %add3A_771 : i32
    %mul3A_773 = arith.constant 100000 : i32
    %mul3A_774 = arith.muli %add3A_772, %mul3A_773 : i32
    %add3A_775 = vector.broadcast %mul3A_774 : i32 to vector<16xi32>
    %add3A_776 = arith.addi %get3A_770, %add3A_775 : vector<16xi32>
    %swap3A_777 = arith.constant 944 : index
    %swap3A_778 = tpu.vector_load %arg6[%swap3A_777] {strides = array<i32>} : memref<2048xi32, #tpu.memory_space<vmem>>, vector<16xi32>,
    %swap3A_779 = vector.shape_cast %swap3A_778 : vector<16xi32> to vector<16xi32>
    %swap3A_780 = vector.shape_cast %add3A_776 : vector<16xi32> to vector<16xi32>
    tpu.vector_store %arg6[%swap3A_777], %swap3A_780 {strides = array<i32>} : memref<2048xi32, #tpu.memory_space<vmem>>, vector<16xi32>,
    %get3A_781 = arith.constant 960 : index
    %get3A_782 = tpu.vector_load %arg5[%get3A_781] {strides = array<i32>} : memref<1024xi32, #tpu.memory_space<vmem>>, vector<16xi32>,
    %get3A_783 = vector.shape_cast %get3A_782 : vector<16xi32> to vector<16xi32>
    %add3A_784 = arith.constant 0 : i32
    %add3A_785 = arith.addi %mul3A_2, %add3A_784 : i32
    %mul3A_786 = arith.constant 100000 : i32
    %mul3A_787 = arith.muli %add3A_785, %mul3A_786 : i32
    %add3A_788 = vector.broadcast %mul3A_787 : i32 to vector<16xi32>
    %add3A_789 = arith.addi %get3A_783, %add3A_788 : vector<16xi32>
    %swap3A_790 = arith.constant 960 : index
    %swap3A_791 = tpu.vector_load %arg6[%swap3A_790] {strides = array<i32>} : memref<2048xi32, #tpu.memory_space<vmem>>, vector<16xi32>,
    %swap3A_792 = vector.shape_cast %swap3A_791 : vector<16xi32> to vector<16xi32>
    %swap3A_793 = vector.shape_cast %add3A_789 : vector<16xi32> to vector<16xi32>
    tpu.vector_store %arg6[%swap3A_790], %swap3A_793 {strides = array<i32>} : memref<2048xi32, #tpu.memory_space<vmem>>, vector<16xi32>,
    %get3A_794 = arith.constant 976 : index
    %get3A_795 = tpu.vector_load %arg5[%get3A_794] {strides = array<i32>} : memref<1024xi32, #tpu.memory_space<vmem>>, vector<16xi32>,
    %get3A_796 = vector.shape_cast %get3A_795 : vector<16xi32> to vector<16xi32>
    %add3A_797 = arith.constant 0 : i32
    %add3A_798 = arith.addi %mul3A_2, %add3A_797 : i32
    %mul3A_799 = arith.constant 100000 : i32
    %mul3A_800 = arith.muli %add3A_798, %mul3A_799 : i32
    %add3A_801 = vector.broadcast %mul3A_800 : i32 to vector<16xi32>
    %add3A_802 = arith.addi %get3A_796, %add3A_801 : vector<16xi32>
    %swap3A_803 = arith.constant 976 : index
    %swap3A_804 = tpu.vector_load %arg6[%swap3A_803] {strides = array<i32>} : memref<2048xi32, #tpu.memory_space<vmem>>, vector<16xi32>,
    %swap3A_805 = vector.shape_cast %swap3A_804 : vector<16xi32> to vector<16xi32>
    %swap3A_806 = vector.shape_cast %add3A_802 : vector<16xi32> to vector<16xi32>
    tpu.vector_store %arg6[%swap3A_803], %swap3A_806 {strides = array<i32>} : memref<2048xi32, #tpu.memory_space<vmem>>, vector<16xi32>,
    %get3A_807 = arith.constant 992 : index
    %get3A_808 = tpu.vector_load %arg5[%get3A_807] {strides = array<i32>} : memref<1024xi32, #tpu.memory_space<vmem>>, vector<16xi32>,
    %get3A_809 = vector.shape_cast %get3A_808 : vector<16xi32> to vector<16xi32>
    %add3A_810 = arith.constant 0 : i32
    %add3A_811 = arith.addi %mul3A_2, %add3A_810 : i32
    %mul3A_812 = arith.constant 100000 : i32
    %mul3A_813 = arith.muli %add3A_811, %mul3A_812 : i32
    %add3A_814 = vector.broadcast %mul3A_813 : i32 to vector<16xi32>
    %add3A_815 = arith.addi %get3A_809, %add3A_814 : vector<16xi32>
    %swap3A_816 = arith.constant 992 : index
    %swap3A_817 = tpu.vector_load %arg6[%swap3A_816] {strides = array<i32>} : memref<2048xi32, #tpu.memory_space<vmem>>, vector<16xi32>,
    %swap3A_818 = vector.shape_cast %swap3A_817 : vector<16xi32> to vector<16xi32>
    %swap3A_819 = vector.shape_cast %add3A_815 : vector<16xi32> to vector<16xi32>
    tpu.vector_store %arg6[%swap3A_816], %swap3A_819 {strides = array<i32>} : memref<2048xi32, #tpu.memory_space<vmem>>, vector<16xi32>,
    %get3A_820 = arith.constant 1008 : index
    %get3A_821 = tpu.vector_load %arg5[%get3A_820] {strides = array<i32>} : memref<1024xi32, #tpu.memory_space<vmem>>, vector<16xi32>,
    %get3A_822 = vector.shape_cast %get3A_821 : vector<16xi32> to vector<16xi32>
    %add3A_823 = arith.constant 0 : i32
    %add3A_824 = arith.addi %mul3A_2, %add3A_823 : i32
    %mul3A_825 = arith.constant 100000 : i32
    %mul3A_826 = arith.muli %add3A_824, %mul3A_825 : i32
    %add3A_827 = vector.broadcast %mul3A_826 : i32 to vector<16xi32>
    %add3A_828 = arith.addi %get3A_822, %add3A_827 : vector<16xi32>
    %swap3A_829 = arith.constant 1008 : index
    %swap3A_830 = tpu.vector_load %arg6[%swap3A_829] {strides = array<i32>} : memref<2048xi32, #tpu.memory_space<vmem>>, vector<16xi32>,
    %swap3A_831 = vector.shape_cast %swap3A_830 : vector<16xi32> to vector<16xi32>
    %swap3A_832 = vector.shape_cast %add3A_828 : vector<16xi32> to vector<16xi32>
    tpu.vector_store %arg6[%swap3A_829], %swap3A_832 {strides = array<i32>} : memref<2048xi32, #tpu.memory_space<vmem>>, vector<16xi32>,
    %get3A_833 = arith.constant 0 : index
    %get3A_834 = tpu.vector_load %arg5[%get3A_833] {strides = array<i32>} : memref<1024xi32, #tpu.memory_space<vmem>>, vector<16xi32>,
    %get3A_835 = vector.shape_cast %get3A_834 : vector<16xi32> to vector<16xi32>
    %add3A_836 = arith.constant 1 : i32
    %add3A_837 = arith.addi %mul3A_2, %add3A_836 : i32
    %mul3A_838 = arith.constant 100000 : i32
    %mul3A_839 = arith.muli %add3A_837, %mul3A_838 : i32
    %add3A_840 = vector.broadcast %mul3A_839 : i32 to vector<16xi32>
    %add3A_841 = arith.addi %get3A_835, %add3A_840 : vector<16xi32>
    %swap3A_842 = arith.constant 1024 : index
    %swap3A_843 = tpu.vector_load %arg6[%swap3A_842] {strides = array<i32>} : memref<2048xi32, #tpu.memory_space<vmem>>, vector<16xi32>,
    %swap3A_844 = vector.shape_cast %swap3A_843 : vector<16xi32> to vector<16xi32>
    %swap3A_845 = vector.shape_cast %add3A_841 : vector<16xi32> to vector<16xi32>
    tpu.vector_store %arg6[%swap3A_842], %swap3A_845 {strides = array<i32>} : memref<2048xi32, #tpu.memory_space<vmem>>, vector<16xi32>,
    %get3A_846 = arith.constant 16 : index
    %get3A_847 = tpu.vector_load %arg5[%get3A_846] {strides = array<i32>} : memref<1024xi32, #tpu.memory_space<vmem>>, vector<16xi32>,
    %get3A_848 = vector.shape_cast %get3A_847 : vector<16xi32> to vector<16xi32>
    %add3A_849 = arith.constant 1 : i32
    %add3A_850 = arith.addi %mul3A_2, %add3A_849 : i32
    %mul3A_851 = arith.constant 100000 : i32
    %mul3A_852 = arith.muli %add3A_850, %mul3A_851 : i32
    %add3A_853 = vector.broadcast %mul3A_852 : i32 to vector<16xi32>
    %add3A_854 = arith.addi %get3A_848, %add3A_853 : vector<16xi32>
    %swap3A_855 = arith.constant 1040 : index
    %swap3A_856 = tpu.vector_load %arg6[%swap3A_855] {strides = array<i32>} : memref<2048xi32, #tpu.memory_space<vmem>>, vector<16xi32>,
    %swap3A_857 = vector.shape_cast %swap3A_856 : vector<16xi32> to vector<16xi32>
    %swap3A_858 = vector.shape_cast %add3A_854 : vector<16xi32> to vector<16xi32>
    tpu.vector_store %arg6[%swap3A_855], %swap3A_858 {strides = array<i32>} : memref<2048xi32, #tpu.memory_space<vmem>>, vector<16xi32>,
    %get3A_859 = arith.constant 32 : index
    %get3A_860 = tpu.vector_load %arg5[%get3A_859] {strides = array<i32>} : memref<1024xi32, #tpu.memory_space<vmem>>, vector<16xi32>,
    %get3A_861 = vector.shape_cast %get3A_860 : vector<16xi32> to vector<16xi32>
    %add3A_862 = arith.constant 1 : i32
    %add3A_863 = arith.addi %mul3A_2, %add3A_862 : i32
    %mul3A_864 = arith.constant 100000 : i32
    %mul3A_865 = arith.muli %add3A_863, %mul3A_864 : i32
    %add3A_866 = vector.broadcast %mul3A_865 : i32 to vector<16xi32>
    %add3A_867 = arith.addi %get3A_861, %add3A_866 : vector<16xi32>
    %swap3A_868 = arith.constant 1056 : index
    %swap3A_869 = tpu.vector_load %arg6[%swap3A_868] {strides = array<i32>} : memref<2048xi32, #tpu.memory_space<vmem>>, vector<16xi32>,
    %swap3A_870 = vector.shape_cast %swap3A_869 : vector<16xi32> to vector<16xi32>
    %swap3A_871 = vector.shape_cast %add3A_867 : vector<16xi32> to vector<16xi32>
    tpu.vector_store %arg6[%swap3A_868], %swap3A_871 {strides = array<i32>} : memref<2048xi32, #tpu.memory_space<vmem>>, vector<16xi32>,
    %get3A_872 = arith.constant 48 : index
    %get3A_873 = tpu.vector_load %arg5[%get3A_872] {strides = array<i32>} : memref<1024xi32, #tpu.memory_space<vmem>>, vector<16xi32>,
    %get3A_874 = vector.shape_cast %get3A_873 : vector<16xi32> to vector<16xi32>
    %add3A_875 = arith.constant 1 : i32
    %add3A_876 = arith.addi %mul3A_2, %add3A_875 : i32
    %mul3A_877 = arith.constant 100000 : i32
    %mul3A_878 = arith.muli %add3A_876, %mul3A_877 : i32
    %add3A_879 = vector.broadcast %mul3A_878 : i32 to vector<16xi32>
    %add3A_880 = arith.addi %get3A_874, %add3A_879 : vector<16xi32>
    %swap3A_881 = arith.constant 1072 : index
    %swap3A_882 = tpu.vector_load %arg6[%swap3A_881] {strides = array<i32>} : memref<2048xi32, #tpu.memory_space<vmem>>, vector<16xi32>,
    %swap3A_883 = vector.shape_cast %swap3A_882 : vector<16xi32> to vector<16xi32>
    %swap3A_884 = vector.shape_cast %add3A_880 : vector<16xi32> to vector<16xi32>
    tpu.vector_store %arg6[%swap3A_881], %swap3A_884 {strides = array<i32>} : memref<2048xi32, #tpu.memory_space<vmem>>, vector<16xi32>,
    %get3A_885 = arith.constant 64 : index
    %get3A_886 = tpu.vector_load %arg5[%get3A_885] {strides = array<i32>} : memref<1024xi32, #tpu.memory_space<vmem>>, vector<16xi32>,
    %get3A_887 = vector.shape_cast %get3A_886 : vector<16xi32> to vector<16xi32>
    %add3A_888 = arith.constant 1 : i32
    %add3A_889 = arith.addi %mul3A_2, %add3A_888 : i32
    %mul3A_890 = arith.constant 100000 : i32
    %mul3A_891 = arith.muli %add3A_889, %mul3A_890 : i32
    %add3A_892 = vector.broadcast %mul3A_891 : i32 to vector<16xi32>
    %add3A_893 = arith.addi %get3A_887, %add3A_892 : vector<16xi32>
    %swap3A_894 = arith.constant 1088 : index
    %swap3A_895 = tpu.vector_load %arg6[%swap3A_894] {strides = array<i32>} : memref<2048xi32, #tpu.memory_space<vmem>>, vector<16xi32>,
    %swap3A_896 = vector.shape_cast %swap3A_895 : vector<16xi32> to vector<16xi32>
    %swap3A_897 = vector.shape_cast %add3A_893 : vector<16xi32> to vector<16xi32>
    tpu.vector_store %arg6[%swap3A_894], %swap3A_897 {strides = array<i32>} : memref<2048xi32, #tpu.memory_space<vmem>>, vector<16xi32>,
    %get3A_898 = arith.constant 80 : index
    %get3A_899 = tpu.vector_load %arg5[%get3A_898] {strides = array<i32>} : memref<1024xi32, #tpu.memory_space<vmem>>, vector<16xi32>,
    %get3A_900 = vector.shape_cast %get3A_899 : vector<16xi32> to vector<16xi32>
    %add3A_901 = arith.constant 1 : i32
    %add3A_902 = arith.addi %mul3A_2, %add3A_901 : i32
    %mul3A_903 = arith.constant 100000 : i32
    %mul3A_904 = arith.muli %add3A_902, %mul3A_903 : i32
    %add3A_905 = vector.broadcast %mul3A_904 : i32 to vector<16xi32>
    %add3A_906 = arith.addi %get3A_900, %add3A_905 : vector<16xi32>
    %swap3A_907 = arith.constant 1104 : index
    %swap3A_908 = tpu.vector_load %arg6[%swap3A_907] {strides = array<i32>} : memref<2048xi32, #tpu.memory_space<vmem>>, vector<16xi32>,
    %swap3A_909 = vector.shape_cast %swap3A_908 : vector<16xi32> to vector<16xi32>
    %swap3A_910 = vector.shape_cast %add3A_906 : vector<16xi32> to vector<16xi32>
    tpu.vector_store %arg6[%swap3A_907], %swap3A_910 {strides = array<i32>} : memref<2048xi32, #tpu.memory_space<vmem>>, vector<16xi32>,
    %get3A_911 = arith.constant 96 : index
    %get3A_912 = tpu.vector_load %arg5[%get3A_911] {strides = array<i32>} : memref<1024xi32, #tpu.memory_space<vmem>>, vector<16xi32>,
    %get3A_913 = vector.shape_cast %get3A_912 : vector<16xi32> to vector<16xi32>
    %add3A_914 = arith.constant 1 : i32
    %add3A_915 = arith.addi %mul3A_2, %add3A_914 : i32
    %mul3A_916 = arith.constant 100000 : i32
    %mul3A_917 = arith.muli %add3A_915, %mul3A_916 : i32
    %add3A_918 = vector.broadcast %mul3A_917 : i32 to vector<16xi32>
    %add3A_919 = arith.addi %get3A_913, %add3A_918 : vector<16xi32>
    %swap3A_920 = arith.constant 1120 : index
    %swap3A_921 = tpu.vector_load %arg6[%swap3A_920] {strides = array<i32>} : memref<2048xi32, #tpu.memory_space<vmem>>, vector<16xi32>,
    %swap3A_922 = vector.shape_cast %swap3A_921 : vector<16xi32> to vector<16xi32>
    %swap3A_923 = vector.shape_cast %add3A_919 : vector<16xi32> to vector<16xi32>
    tpu.vector_store %arg6[%swap3A_920], %swap3A_923 {strides = array<i32>} : memref<2048xi32, #tpu.memory_space<vmem>>, vector<16xi32>,
    %get3A_924 = arith.constant 112 : index
    %get3A_925 = tpu.vector_load %arg5[%get3A_924] {strides = array<i32>} : memref<1024xi32, #tpu.memory_space<vmem>>, vector<16xi32>,
    %get3A_926 = vector.shape_cast %get3A_925 : vector<16xi32> to vector<16xi32>
    %add3A_927 = arith.constant 1 : i32
    %add3A_928 = arith.addi %mul3A_2, %add3A_927 : i32
    %mul3A_929 = arith.constant 100000 : i32
    %mul3A_930 = arith.muli %add3A_928, %mul3A_929 : i32
    %add3A_931 = vector.broadcast %mul3A_930 : i32 to vector<16xi32>
    %add3A_932 = arith.addi %get3A_926, %add3A_931 : vector<16xi32>
    %swap3A_933 = arith.constant 1136 : index
    %swap3A_934 = tpu.vector_load %arg6[%swap3A_933] {strides = array<i32>} : memref<2048xi32, #tpu.memory_space<vmem>>, vector<16xi32>,
    %swap3A_935 = vector.shape_cast %swap3A_934 : vector<16xi32> to vector<16xi32>
    %swap3A_936 = vector.shape_cast %add3A_932 : vector<16xi32> to vector<16xi32>
    tpu.vector_store %arg6[%swap3A_933], %swap3A_936 {strides = array<i32>} : memref<2048xi32, #tpu.memory_space<vmem>>, vector<16xi32>,
    %get3A_937 = arith.constant 128 : index
    %get3A_938 = tpu.vector_load %arg5[%get3A_937] {strides = array<i32>} : memref<1024xi32, #tpu.memory_space<vmem>>, vector<16xi32>,
    %get3A_939 = vector.shape_cast %get3A_938 : vector<16xi32> to vector<16xi32>
    %add3A_940 = arith.constant 1 : i32
    %add3A_941 = arith.addi %mul3A_2, %add3A_940 : i32
    %mul3A_942 = arith.constant 100000 : i32
    %mul3A_943 = arith.muli %add3A_941, %mul3A_942 : i32
    %add3A_944 = vector.broadcast %mul3A_943 : i32 to vector<16xi32>
    %add3A_945 = arith.addi %get3A_939, %add3A_944 : vector<16xi32>
    %swap3A_946 = arith.constant 1152 : index
    %swap3A_947 = tpu.vector_load %arg6[%swap3A_946] {strides = array<i32>} : memref<2048xi32, #tpu.memory_space<vmem>>, vector<16xi32>,
    %swap3A_948 = vector.shape_cast %swap3A_947 : vector<16xi32> to vector<16xi32>
    %swap3A_949 = vector.shape_cast %add3A_945 : vector<16xi32> to vector<16xi32>
    tpu.vector_store %arg6[%swap3A_946], %swap3A_949 {strides = array<i32>} : memref<2048xi32, #tpu.memory_space<vmem>>, vector<16xi32>,
    %get3A_950 = arith.constant 144 : index
    %get3A_951 = tpu.vector_load %arg5[%get3A_950] {strides = array<i32>} : memref<1024xi32, #tpu.memory_space<vmem>>, vector<16xi32>,
    %get3A_952 = vector.shape_cast %get3A_951 : vector<16xi32> to vector<16xi32>
    %add3A_953 = arith.constant 1 : i32
    %add3A_954 = arith.addi %mul3A_2, %add3A_953 : i32
    %mul3A_955 = arith.constant 100000 : i32
    %mul3A_956 = arith.muli %add3A_954, %mul3A_955 : i32
    %add3A_957 = vector.broadcast %mul3A_956 : i32 to vector<16xi32>
    %add3A_958 = arith.addi %get3A_952, %add3A_957 : vector<16xi32>
    %swap3A_959 = arith.constant 1168 : index
    %swap3A_960 = tpu.vector_load %arg6[%swap3A_959] {strides = array<i32>} : memref<2048xi32, #tpu.memory_space<vmem>>, vector<16xi32>,
    %swap3A_961 = vector.shape_cast %swap3A_960 : vector<16xi32> to vector<16xi32>
    %swap3A_962 = vector.shape_cast %add3A_958 : vector<16xi32> to vector<16xi32>
    tpu.vector_store %arg6[%swap3A_959], %swap3A_962 {strides = array<i32>} : memref<2048xi32, #tpu.memory_space<vmem>>, vector<16xi32>,
    %get3A_963 = arith.constant 160 : index
    %get3A_964 = tpu.vector_load %arg5[%get3A_963] {strides = array<i32>} : memref<1024xi32, #tpu.memory_space<vmem>>, vector<16xi32>,
    %get3A_965 = vector.shape_cast %get3A_964 : vector<16xi32> to vector<16xi32>
    %add3A_966 = arith.constant 1 : i32
    %add3A_967 = arith.addi %mul3A_2, %add3A_966 : i32
    %mul3A_968 = arith.constant 100000 : i32
    %mul3A_969 = arith.muli %add3A_967, %mul3A_968 : i32
    %add3A_970 = vector.broadcast %mul3A_969 : i32 to vector<16xi32>
    %add3A_971 = arith.addi %get3A_965, %add3A_970 : vector<16xi32>
    %swap3A_972 = arith.constant 1184 : index
    %swap3A_973 = tpu.vector_load %arg6[%swap3A_972] {strides = array<i32>} : memref<2048xi32, #tpu.memory_space<vmem>>, vector<16xi32>,
    %swap3A_974 = vector.shape_cast %swap3A_973 : vector<16xi32> to vector<16xi32>
    %swap3A_975 = vector.shape_cast %add3A_971 : vector<16xi32> to vector<16xi32>
    tpu.vector_store %arg6[%swap3A_972], %swap3A_975 {strides = array<i32>} : memref<2048xi32, #tpu.memory_space<vmem>>, vector<16xi32>,
    %get3A_976 = arith.constant 176 : index
    %get3A_977 = tpu.vector_load %arg5[%get3A_976] {strides = array<i32>} : memref<1024xi32, #tpu.memory_space<vmem>>, vector<16xi32>,
    %get3A_978 = vector.shape_cast %get3A_977 : vector<16xi32> to vector<16xi32>
    %add3A_979 = arith.constant 1 : i32
    %add3A_980 = arith.addi %mul3A_2, %add3A_979 : i32
    %mul3A_981 = arith.constant 100000 : i32
    %mul3A_982 = arith.muli %add3A_980, %mul3A_981 : i32
    %add3A_983 = vector.broadcast %mul3A_982 : i32 to vector<16xi32>
    %add3A_984 = arith.addi %get3A_978, %add3A_983 : vector<16xi32>
    %swap3A_985 = arith.constant 1200 : index
    %swap3A_986 = tpu.vector_load %arg6[%swap3A_985] {strides = array<i32>} : memref<2048xi32, #tpu.memory_space<vmem>>, vector<16xi32>,
    %swap3A_987 = vector.shape_cast %swap3A_986 : vector<16xi32> to vector<16xi32>
    %swap3A_988 = vector.shape_cast %add3A_984 : vector<16xi32> to vector<16xi32>
    tpu.vector_store %arg6[%swap3A_985], %swap3A_988 {strides = array<i32>} : memref<2048xi32, #tpu.memory_space<vmem>>, vector<16xi32>,
    %get3A_989 = arith.constant 192 : index
    %get3A_990 = tpu.vector_load %arg5[%get3A_989] {strides = array<i32>} : memref<1024xi32, #tpu.memory_space<vmem>>, vector<16xi32>,
    %get3A_991 = vector.shape_cast %get3A_990 : vector<16xi32> to vector<16xi32>
    %add3A_992 = arith.constant 1 : i32
    %add3A_993 = arith.addi %mul3A_2, %add3A_992 : i32
    %mul3A_994 = arith.constant 100000 : i32
    %mul3A_995 = arith.muli %add3A_993, %mul3A_994 : i32
    %add3A_996 = vector.broadcast %mul3A_995 : i32 to vector<16xi32>
    %add3A_997 = arith.addi %get3A_991, %add3A_996 : vector<16xi32>
    %swap3A_998 = arith.constant 1216 : index
    %swap3A_999 = tpu.vector_load %arg6[%swap3A_998] {strides = array<i32>} : memref<2048xi32, #tpu.memory_space<vmem>>, vector<16xi32>,
    %swap3A_1000 = vector.shape_cast %swap3A_999 : vector<16xi32> to vector<16xi32>
    %swap3A_1001 = vector.shape_cast %add3A_997 : vector<16xi32> to vector<16xi32>
    tpu.vector_store %arg6[%swap3A_998], %swap3A_1001 {strides = array<i32>} : memref<2048xi32, #tpu.memory_space<vmem>>, vector<16xi32>,
    %get3A_1002 = arith.constant 208 : index
    %get3A_1003 = tpu.vector_load %arg5[%get3A_1002] {strides = array<i32>} : memref<1024xi32, #tpu.memory_space<vmem>>, vector<16xi32>,
    %get3A_1004 = vector.shape_cast %get3A_1003 : vector<16xi32> to vector<16xi32>
    %add3A_1005 = arith.constant 1 : i32
    %add3A_1006 = arith.addi %mul3A_2, %add3A_1005 : i32
    %mul3A_1007 = arith.constant 100000 : i32
    %mul3A_1008 = arith.muli %add3A_1006, %mul3A_1007 : i32
    %add3A_1009 = vector.broadcast %mul3A_1008 : i32 to vector<16xi32>
    %add3A_1010 = arith.addi %get3A_1004, %add3A_1009 : vector<16xi32>
    %swap3A_1011 = arith.constant 1232 : index
    %swap3A_1012 = tpu.vector_load %arg6[%swap3A_1011] {strides = array<i32>} : memref<2048xi32, #tpu.memory_space<vmem>>, vector<16xi32>,
    %swap3A_1013 = vector.shape_cast %swap3A_1012 : vector<16xi32> to vector<16xi32>
    %swap3A_1014 = vector.shape_cast %add3A_1010 : vector<16xi32> to vector<16xi32>
    tpu.vector_store %arg6[%swap3A_1011], %swap3A_1014 {strides = array<i32>} : memref<2048xi32, #tpu.memory_space<vmem>>, vector<16xi32>,
    %get3A_1015 = arith.constant 224 : index
    %get3A_1016 = tpu.vector_load %arg5[%get3A_1015] {strides = array<i32>} : memref<1024xi32, #tpu.memory_space<vmem>>, vector<16xi32>,
    %get3A_1017 = vector.shape_cast %get3A_1016 : vector<16xi32> to vector<16xi32>
    %add3A_1018 = arith.constant 1 : i32
    %add3A_1019 = arith.addi %mul3A_2, %add3A_1018 : i32
    %mul3A_1020 = arith.constant 100000 : i32
    %mul3A_1021 = arith.muli %add3A_1019, %mul3A_1020 : i32
    %add3A_1022 = vector.broadcast %mul3A_1021 : i32 to vector<16xi32>
    %add3A_1023 = arith.addi %get3A_1017, %add3A_1022 : vector<16xi32>
    %swap3A_1024 = arith.constant 1248 : index
    %swap3A_1025 = tpu.vector_load %arg6[%swap3A_1024] {strides = array<i32>} : memref<2048xi32, #tpu.memory_space<vmem>>, vector<16xi32>,
    %swap3A_1026 = vector.shape_cast %swap3A_1025 : vector<16xi32> to vector<16xi32>
    %swap3A_1027 = vector.shape_cast %add3A_1023 : vector<16xi32> to vector<16xi32>
    tpu.vector_store %arg6[%swap3A_1024], %swap3A_1027 {strides = array<i32>} : memref<2048xi32, #tpu.memory_space<vmem>>, vector<16xi32>,
    %get3A_1028 = arith.constant 240 : index
    %get3A_1029 = tpu.vector_load %arg5[%get3A_1028] {strides = array<i32>} : memref<1024xi32, #tpu.memory_space<vmem>>, vector<16xi32>,
    %get3A_1030 = vector.shape_cast %get3A_1029 : vector<16xi32> to vector<16xi32>
    %add3A_1031 = arith.constant 1 : i32
    %add3A_1032 = arith.addi %mul3A_2, %add3A_1031 : i32
    %mul3A_1033 = arith.constant 100000 : i32
    %mul3A_1034 = arith.muli %add3A_1032, %mul3A_1033 : i32
    %add3A_1035 = vector.broadcast %mul3A_1034 : i32 to vector<16xi32>
    %add3A_1036 = arith.addi %get3A_1030, %add3A_1035 : vector<16xi32>
    %swap3A_1037 = arith.constant 1264 : index
    %swap3A_1038 = tpu.vector_load %arg6[%swap3A_1037] {strides = array<i32>} : memref<2048xi32, #tpu.memory_space<vmem>>, vector<16xi32>,
    %swap3A_1039 = vector.shape_cast %swap3A_1038 : vector<16xi32> to vector<16xi32>
    %swap3A_1040 = vector.shape_cast %add3A_1036 : vector<16xi32> to vector<16xi32>
    tpu.vector_store %arg6[%swap3A_1037], %swap3A_1040 {strides = array<i32>} : memref<2048xi32, #tpu.memory_space<vmem>>, vector<16xi32>,
    %get3A_1041 = arith.constant 256 : index
    %get3A_1042 = tpu.vector_load %arg5[%get3A_1041] {strides = array<i32>} : memref<1024xi32, #tpu.memory_space<vmem>>, vector<16xi32>,
    %get3A_1043 = vector.shape_cast %get3A_1042 : vector<16xi32> to vector<16xi32>
    %add3A_1044 = arith.constant 1 : i32
    %add3A_1045 = arith.addi %mul3A_2, %add3A_1044 : i32
    %mul3A_1046 = arith.constant 100000 : i32
    %mul3A_1047 = arith.muli %add3A_1045, %mul3A_1046 : i32
    %add3A_1048 = vector.broadcast %mul3A_1047 : i32 to vector<16xi32>
    %add3A_1049 = arith.addi %get3A_1043, %add3A_1048 : vector<16xi32>
    %swap3A_1050 = arith.constant 1280 : index
    %swap3A_1051 = tpu.vector_load %arg6[%swap3A_1050] {strides = array<i32>} : memref<2048xi32, #tpu.memory_space<vmem>>, vector<16xi32>,
    %swap3A_1052 = vector.shape_cast %swap3A_1051 : vector<16xi32> to vector<16xi32>
    %swap3A_1053 = vector.shape_cast %add3A_1049 : vector<16xi32> to vector<16xi32>
    tpu.vector_store %arg6[%swap3A_1050], %swap3A_1053 {strides = array<i32>} : memref<2048xi32, #tpu.memory_space<vmem>>, vector<16xi32>,
    %get3A_1054 = arith.constant 272 : index
    %get3A_1055 = tpu.vector_load %arg5[%get3A_1054] {strides = array<i32>} : memref<1024xi32, #tpu.memory_space<vmem>>, vector<16xi32>,
    %get3A_1056 = vector.shape_cast %get3A_1055 : vector<16xi32> to vector<16xi32>
    %add3A_1057 = arith.constant 1 : i32
    %add3A_1058 = arith.addi %mul3A_2, %add3A_1057 : i32
    %mul3A_1059 = arith.constant 100000 : i32
    %mul3A_1060 = arith.muli %add3A_1058, %mul3A_1059 : i32
    %add3A_1061 = vector.broadcast %mul3A_1060 : i32 to vector<16xi32>
    %add3A_1062 = arith.addi %get3A_1056, %add3A_1061 : vector<16xi32>
    %swap3A_1063 = arith.constant 1296 : index
    %swap3A_1064 = tpu.vector_load %arg6[%swap3A_1063] {strides = array<i32>} : memref<2048xi32, #tpu.memory_space<vmem>>, vector<16xi32>,
    %swap3A_1065 = vector.shape_cast %swap3A_1064 : vector<16xi32> to vector<16xi32>
    %swap3A_1066 = vector.shape_cast %add3A_1062 : vector<16xi32> to vector<16xi32>
    tpu.vector_store %arg6[%swap3A_1063], %swap3A_1066 {strides = array<i32>} : memref<2048xi32, #tpu.memory_space<vmem>>, vector<16xi32>,
    %get3A_1067 = arith.constant 288 : index
    %get3A_1068 = tpu.vector_load %arg5[%get3A_1067] {strides = array<i32>} : memref<1024xi32, #tpu.memory_space<vmem>>, vector<16xi32>,
    %get3A_1069 = vector.shape_cast %get3A_1068 : vector<16xi32> to vector<16xi32>
    %add3A_1070 = arith.constant 1 : i32
    %add3A_1071 = arith.addi %mul3A_2, %add3A_1070 : i32
    %mul3A_1072 = arith.constant 100000 : i32
    %mul3A_1073 = arith.muli %add3A_1071, %mul3A_1072 : i32
    %add3A_1074 = vector.broadcast %mul3A_1073 : i32 to vector<16xi32>
    %add3A_1075 = arith.addi %get3A_1069, %add3A_1074 : vector<16xi32>
    %swap3A_1076 = arith.constant 1312 : index
    %swap3A_1077 = tpu.vector_load %arg6[%swap3A_1076] {strides = array<i32>} : memref<2048xi32, #tpu.memory_space<vmem>>, vector<16xi32>,
    %swap3A_1078 = vector.shape_cast %swap3A_1077 : vector<16xi32> to vector<16xi32>
    %swap3A_1079 = vector.shape_cast %add3A_1075 : vector<16xi32> to vector<16xi32>
    tpu.vector_store %arg6[%swap3A_1076], %swap3A_1079 {strides = array<i32>} : memref<2048xi32, #tpu.memory_space<vmem>>, vector<16xi32>,
    %get3A_1080 = arith.constant 304 : index
    %get3A_1081 = tpu.vector_load %arg5[%get3A_1080] {strides = array<i32>} : memref<1024xi32, #tpu.memory_space<vmem>>, vector<16xi32>,
    %get3A_1082 = vector.shape_cast %get3A_1081 : vector<16xi32> to vector<16xi32>
    %add3A_1083 = arith.constant 1 : i32
    %add3A_1084 = arith.addi %mul3A_2, %add3A_1083 : i32
    %mul3A_1085 = arith.constant 100000 : i32
    %mul3A_1086 = arith.muli %add3A_1084, %mul3A_1085 : i32
    %add3A_1087 = vector.broadcast %mul3A_1086 : i32 to vector<16xi32>
    %add3A_1088 = arith.addi %get3A_1082, %add3A_1087 : vector<16xi32>
    %swap3A_1089 = arith.constant 1328 : index
    %swap3A_1090 = tpu.vector_load %arg6[%swap3A_1089] {strides = array<i32>} : memref<2048xi32, #tpu.memory_space<vmem>>, vector<16xi32>,
    %swap3A_1091 = vector.shape_cast %swap3A_1090 : vector<16xi32> to vector<16xi32>
    %swap3A_1092 = vector.shape_cast %add3A_1088 : vector<16xi32> to vector<16xi32>
    tpu.vector_store %arg6[%swap3A_1089], %swap3A_1092 {strides = array<i32>} : memref<2048xi32, #tpu.memory_space<vmem>>, vector<16xi32>,
    %get3A_1093 = arith.constant 320 : index
    %get3A_1094 = tpu.vector_load %arg5[%get3A_1093] {strides = array<i32>} : memref<1024xi32, #tpu.memory_space<vmem>>, vector<16xi32>,
    %get3A_1095 = vector.shape_cast %get3A_1094 : vector<16xi32> to vector<16xi32>
    %add3A_1096 = arith.constant 1 : i32
    %add3A_1097 = arith.addi %mul3A_2, %add3A_1096 : i32
    %mul3A_1098 = arith.constant 100000 : i32
    %mul3A_1099 = arith.muli %add3A_1097, %mul3A_1098 : i32
    %add3A_1100 = vector.broadcast %mul3A_1099 : i32 to vector<16xi32>
    %add3A_1101 = arith.addi %get3A_1095, %add3A_1100 : vector<16xi32>
    %swap3A_1102 = arith.constant 1344 : index
    %swap3A_1103 = tpu.vector_load %arg6[%swap3A_1102] {strides = array<i32>} : memref<2048xi32, #tpu.memory_space<vmem>>, vector<16xi32>,
    %swap3A_1104 = vector.shape_cast %swap3A_1103 : vector<16xi32> to vector<16xi32>
    %swap3A_1105 = vector.shape_cast %add3A_1101 : vector<16xi32> to vector<16xi32>
    tpu.vector_store %arg6[%swap3A_1102], %swap3A_1105 {strides = array<i32>} : memref<2048xi32, #tpu.memory_space<vmem>>, vector<16xi32>,
    %get3A_1106 = arith.constant 336 : index
    %get3A_1107 = tpu.vector_load %arg5[%get3A_1106] {strides = array<i32>} : memref<1024xi32, #tpu.memory_space<vmem>>, vector<16xi32>,
    %get3A_1108 = vector.shape_cast %get3A_1107 : vector<16xi32> to vector<16xi32>
    %add3A_1109 = arith.constant 1 : i32
    %add3A_1110 = arith.addi %mul3A_2, %add3A_1109 : i32
    %mul3A_1111 = arith.constant 100000 : i32
    %mul3A_1112 = arith.muli %add3A_1110, %mul3A_1111 : i32
    %add3A_1113 = vector.broadcast %mul3A_1112 : i32 to vector<16xi32>
    %add3A_1114 = arith.addi %get3A_1108, %add3A_1113 : vector<16xi32>
    %swap3A_1115 = arith.constant 1360 : index
    %swap3A_1116 = tpu.vector_load %arg6[%swap3A_1115] {strides = array<i32>} : memref<2048xi32, #tpu.memory_space<vmem>>, vector<16xi32>,
    %swap3A_1117 = vector.shape_cast %swap3A_1116 : vector<16xi32> to vector<16xi32>
    %swap3A_1118 = vector.shape_cast %add3A_1114 : vector<16xi32> to vector<16xi32>
    tpu.vector_store %arg6[%swap3A_1115], %swap3A_1118 {strides = array<i32>} : memref<2048xi32, #tpu.memory_space<vmem>>, vector<16xi32>,
    %get3A_1119 = arith.constant 352 : index
    %get3A_1120 = tpu.vector_load %arg5[%get3A_1119] {strides = array<i32>} : memref<1024xi32, #tpu.memory_space<vmem>>, vector<16xi32>,
    %get3A_1121 = vector.shape_cast %get3A_1120 : vector<16xi32> to vector<16xi32>
    %add3A_1122 = arith.constant 1 : i32
    %add3A_1123 = arith.addi %mul3A_2, %add3A_1122 : i32
    %mul3A_1124 = arith.constant 100000 : i32
    %mul3A_1125 = arith.muli %add3A_1123, %mul3A_1124 : i32
    %add3A_1126 = vector.broadcast %mul3A_1125 : i32 to vector<16xi32>
    %add3A_1127 = arith.addi %get3A_1121, %add3A_1126 : vector<16xi32>
    %swap3A_1128 = arith.constant 1376 : index
    %swap3A_1129 = tpu.vector_load %arg6[%swap3A_1128] {strides = array<i32>} : memref<2048xi32, #tpu.memory_space<vmem>>, vector<16xi32>,
    %swap3A_1130 = vector.shape_cast %swap3A_1129 : vector<16xi32> to vector<16xi32>
    %swap3A_1131 = vector.shape_cast %add3A_1127 : vector<16xi32> to vector<16xi32>
    tpu.vector_store %arg6[%swap3A_1128], %swap3A_1131 {strides = array<i32>} : memref<2048xi32, #tpu.memory_space<vmem>>, vector<16xi32>,
    %get3A_1132 = arith.constant 368 : index
    %get3A_1133 = tpu.vector_load %arg5[%get3A_1132] {strides = array<i32>} : memref<1024xi32, #tpu.memory_space<vmem>>, vector<16xi32>,
    %get3A_1134 = vector.shape_cast %get3A_1133 : vector<16xi32> to vector<16xi32>
    %add3A_1135 = arith.constant 1 : i32
    %add3A_1136 = arith.addi %mul3A_2, %add3A_1135 : i32
    %mul3A_1137 = arith.constant 100000 : i32
    %mul3A_1138 = arith.muli %add3A_1136, %mul3A_1137 : i32
    %add3A_1139 = vector.broadcast %mul3A_1138 : i32 to vector<16xi32>
    %add3A_1140 = arith.addi %get3A_1134, %add3A_1139 : vector<16xi32>
    %swap3A_1141 = arith.constant 1392 : index
    %swap3A_1142 = tpu.vector_load %arg6[%swap3A_1141] {strides = array<i32>} : memref<2048xi32, #tpu.memory_space<vmem>>, vector<16xi32>,
    %swap3A_1143 = vector.shape_cast %swap3A_1142 : vector<16xi32> to vector<16xi32>
    %swap3A_1144 = vector.shape_cast %add3A_1140 : vector<16xi32> to vector<16xi32>
    tpu.vector_store %arg6[%swap3A_1141], %swap3A_1144 {strides = array<i32>} : memref<2048xi32, #tpu.memory_space<vmem>>, vector<16xi32>,
    %get3A_1145 = arith.constant 384 : index
    %get3A_1146 = tpu.vector_load %arg5[%get3A_1145] {strides = array<i32>} : memref<1024xi32, #tpu.memory_space<vmem>>, vector<16xi32>,
    %get3A_1147 = vector.shape_cast %get3A_1146 : vector<16xi32> to vector<16xi32>
    %add3A_1148 = arith.constant 1 : i32
    %add3A_1149 = arith.addi %mul3A_2, %add3A_1148 : i32
    %mul3A_1150 = arith.constant 100000 : i32
    %mul3A_1151 = arith.muli %add3A_1149, %mul3A_1150 : i32
    %add3A_1152 = vector.broadcast %mul3A_1151 : i32 to vector<16xi32>
    %add3A_1153 = arith.addi %get3A_1147, %add3A_1152 : vector<16xi32>
    %swap3A_1154 = arith.constant 1408 : index
    %swap3A_1155 = tpu.vector_load %arg6[%swap3A_1154] {strides = array<i32>} : memref<2048xi32, #tpu.memory_space<vmem>>, vector<16xi32>,
    %swap3A_1156 = vector.shape_cast %swap3A_1155 : vector<16xi32> to vector<16xi32>
    %swap3A_1157 = vector.shape_cast %add3A_1153 : vector<16xi32> to vector<16xi32>
    tpu.vector_store %arg6[%swap3A_1154], %swap3A_1157 {strides = array<i32>} : memref<2048xi32, #tpu.memory_space<vmem>>, vector<16xi32>,
    %get3A_1158 = arith.constant 400 : index
    %get3A_1159 = tpu.vector_load %arg5[%get3A_1158] {strides = array<i32>} : memref<1024xi32, #tpu.memory_space<vmem>>, vector<16xi32>,
    %get3A_1160 = vector.shape_cast %get3A_1159 : vector<16xi32> to vector<16xi32>
    %add3A_1161 = arith.constant 1 : i32
    %add3A_1162 = arith.addi %mul3A_2, %add3A_1161 : i32
    %mul3A_1163 = arith.constant 100000 : i32
    %mul3A_1164 = arith.muli %add3A_1162, %mul3A_1163 : i32
    %add3A_1165 = vector.broadcast %mul3A_1164 : i32 to vector<16xi32>
    %add3A_1166 = arith.addi %get3A_1160, %add3A_1165 : vector<16xi32>
    %swap3A_1167 = arith.constant 1424 : index
    %swap3A_1168 = tpu.vector_load %arg6[%swap3A_1167] {strides = array<i32>} : memref<2048xi32, #tpu.memory_space<vmem>>, vector<16xi32>,
    %swap3A_1169 = vector.shape_cast %swap3A_1168 : vector<16xi32> to vector<16xi32>
    %swap3A_1170 = vector.shape_cast %add3A_1166 : vector<16xi32> to vector<16xi32>
    tpu.vector_store %arg6[%swap3A_1167], %swap3A_1170 {strides = array<i32>} : memref<2048xi32, #tpu.memory_space<vmem>>, vector<16xi32>,
    %get3A_1171 = arith.constant 416 : index
    %get3A_1172 = tpu.vector_load %arg5[%get3A_1171] {strides = array<i32>} : memref<1024xi32, #tpu.memory_space<vmem>>, vector<16xi32>,
    %get3A_1173 = vector.shape_cast %get3A_1172 : vector<16xi32> to vector<16xi32>
    %add3A_1174 = arith.constant 1 : i32
    %add3A_1175 = arith.addi %mul3A_2, %add3A_1174 : i32
    %mul3A_1176 = arith.constant 100000 : i32
    %mul3A_1177 = arith.muli %add3A_1175, %mul3A_1176 : i32
    %add3A_1178 = vector.broadcast %mul3A_1177 : i32 to vector<16xi32>
    %add3A_1179 = arith.addi %get3A_1173, %add3A_1178 : vector<16xi32>
    %swap3A_1180 = arith.constant 1440 : index
    %swap3A_1181 = tpu.vector_load %arg6[%swap3A_1180] {strides = array<i32>} : memref<2048xi32, #tpu.memory_space<vmem>>, vector<16xi32>,
    %swap3A_1182 = vector.shape_cast %swap3A_1181 : vector<16xi32> to vector<16xi32>
    %swap3A_1183 = vector.shape_cast %add3A_1179 : vector<16xi32> to vector<16xi32>
    tpu.vector_store %arg6[%swap3A_1180], %swap3A_1183 {strides = array<i32>} : memref<2048xi32, #tpu.memory_space<vmem>>, vector<16xi32>,
    %get3A_1184 = arith.constant 432 : index
    %get3A_1185 = tpu.vector_load %arg5[%get3A_1184] {strides = array<i32>} : memref<1024xi32, #tpu.memory_space<vmem>>, vector<16xi32>,
    %get3A_1186 = vector.shape_cast %get3A_1185 : vector<16xi32> to vector<16xi32>
    %add3A_1187 = arith.constant 1 : i32
    %add3A_1188 = arith.addi %mul3A_2, %add3A_1187 : i32
    %mul3A_1189 = arith.constant 100000 : i32
    %mul3A_1190 = arith.muli %add3A_1188, %mul3A_1189 : i32
    %add3A_1191 = vector.broadcast %mul3A_1190 : i32 to vector<16xi32>
    %add3A_1192 = arith.addi %get3A_1186, %add3A_1191 : vector<16xi32>
    %swap3A_1193 = arith.constant 1456 : index
    %swap3A_1194 = tpu.vector_load %arg6[%swap3A_1193] {strides = array<i32>} : memref<2048xi32, #tpu.memory_space<vmem>>, vector<16xi32>,
    %swap3A_1195 = vector.shape_cast %swap3A_1194 : vector<16xi32> to vector<16xi32>
    %swap3A_1196 = vector.shape_cast %add3A_1192 : vector<16xi32> to vector<16xi32>
    tpu.vector_store %arg6[%swap3A_1193], %swap3A_1196 {strides = array<i32>} : memref<2048xi32, #tpu.memory_space<vmem>>, vector<16xi32>,
    %get3A_1197 = arith.constant 448 : index
    %get3A_1198 = tpu.vector_load %arg5[%get3A_1197] {strides = array<i32>} : memref<1024xi32, #tpu.memory_space<vmem>>, vector<16xi32>,
    %get3A_1199 = vector.shape_cast %get3A_1198 : vector<16xi32> to vector<16xi32>
    %add3A_1200 = arith.constant 1 : i32
    %add3A_1201 = arith.addi %mul3A_2, %add3A_1200 : i32
    %mul3A_1202 = arith.constant 100000 : i32
    %mul3A_1203 = arith.muli %add3A_1201, %mul3A_1202 : i32
    %add3A_1204 = vector.broadcast %mul3A_1203 : i32 to vector<16xi32>
    %add3A_1205 = arith.addi %get3A_1199, %add3A_1204 : vector<16xi32>
    %swap3A_1206 = arith.constant 1472 : index
    %swap3A_1207 = tpu.vector_load %arg6[%swap3A_1206] {strides = array<i32>} : memref<2048xi32, #tpu.memory_space<vmem>>, vector<16xi32>,
    %swap3A_1208 = vector.shape_cast %swap3A_1207 : vector<16xi32> to vector<16xi32>
    %swap3A_1209 = vector.shape_cast %add3A_1205 : vector<16xi32> to vector<16xi32>
    tpu.vector_store %arg6[%swap3A_1206], %swap3A_1209 {strides = array<i32>} : memref<2048xi32, #tpu.memory_space<vmem>>, vector<16xi32>,
    %get3A_1210 = arith.constant 464 : index
    %get3A_1211 = tpu.vector_load %arg5[%get3A_1210] {strides = array<i32>} : memref<1024xi32, #tpu.memory_space<vmem>>, vector<16xi32>,
    %get3A_1212 = vector.shape_cast %get3A_1211 : vector<16xi32> to vector<16xi32>
    %add3A_1213 = arith.constant 1 : i32
    %add3A_1214 = arith.addi %mul3A_2, %add3A_1213 : i32
    %mul3A_1215 = arith.constant 100000 : i32
    %mul3A_1216 = arith.muli %add3A_1214, %mul3A_1215 : i32
    %add3A_1217 = vector.broadcast %mul3A_1216 : i32 to vector<16xi32>
    %add3A_1218 = arith.addi %get3A_1212, %add3A_1217 : vector<16xi32>
    %swap3A_1219 = arith.constant 1488 : index
    %swap3A_1220 = tpu.vector_load %arg6[%swap3A_1219] {strides = array<i32>} : memref<2048xi32, #tpu.memory_space<vmem>>, vector<16xi32>,
    %swap3A_1221 = vector.shape_cast %swap3A_1220 : vector<16xi32> to vector<16xi32>
    %swap3A_1222 = vector.shape_cast %add3A_1218 : vector<16xi32> to vector<16xi32>
    tpu.vector_store %arg6[%swap3A_1219], %swap3A_1222 {strides = array<i32>} : memref<2048xi32, #tpu.memory_space<vmem>>, vector<16xi32>,
    %get3A_1223 = arith.constant 480 : index
    %get3A_1224 = tpu.vector_load %arg5[%get3A_1223] {strides = array<i32>} : memref<1024xi32, #tpu.memory_space<vmem>>, vector<16xi32>,
    %get3A_1225 = vector.shape_cast %get3A_1224 : vector<16xi32> to vector<16xi32>
    %add3A_1226 = arith.constant 1 : i32
    %add3A_1227 = arith.addi %mul3A_2, %add3A_1226 : i32
    %mul3A_1228 = arith.constant 100000 : i32
    %mul3A_1229 = arith.muli %add3A_1227, %mul3A_1228 : i32
    %add3A_1230 = vector.broadcast %mul3A_1229 : i32 to vector<16xi32>
    %add3A_1231 = arith.addi %get3A_1225, %add3A_1230 : vector<16xi32>
    %swap3A_1232 = arith.constant 1504 : index
    %swap3A_1233 = tpu.vector_load %arg6[%swap3A_1232] {strides = array<i32>} : memref<2048xi32, #tpu.memory_space<vmem>>, vector<16xi32>,
    %swap3A_1234 = vector.shape_cast %swap3A_1233 : vector<16xi32> to vector<16xi32>
    %swap3A_1235 = vector.shape_cast %add3A_1231 : vector<16xi32> to vector<16xi32>
    tpu.vector_store %arg6[%swap3A_1232], %swap3A_1235 {strides = array<i32>} : memref<2048xi32, #tpu.memory_space<vmem>>, vector<16xi32>,
    %get3A_1236 = arith.constant 496 : index
    %get3A_1237 = tpu.vector_load %arg5[%get3A_1236] {strides = array<i32>} : memref<1024xi32, #tpu.memory_space<vmem>>, vector<16xi32>,
    %get3A_1238 = vector.shape_cast %get3A_1237 : vector<16xi32> to vector<16xi32>
    %add3A_1239 = arith.constant 1 : i32
    %add3A_1240 = arith.addi %mul3A_2, %add3A_1239 : i32
    %mul3A_1241 = arith.constant 100000 : i32
    %mul3A_1242 = arith.muli %add3A_1240, %mul3A_1241 : i32
    %add3A_1243 = vector.broadcast %mul3A_1242 : i32 to vector<16xi32>
    %add3A_1244 = arith.addi %get3A_1238, %add3A_1243 : vector<16xi32>
    %swap3A_1245 = arith.constant 1520 : index
    %swap3A_1246 = tpu.vector_load %arg6[%swap3A_1245] {strides = array<i32>} : memref<2048xi32, #tpu.memory_space<vmem>>, vector<16xi32>,
    %swap3A_1247 = vector.shape_cast %swap3A_1246 : vector<16xi32> to vector<16xi32>
    %swap3A_1248 = vector.shape_cast %add3A_1244 : vector<16xi32> to vector<16xi32>
    tpu.vector_store %arg6[%swap3A_1245], %swap3A_1248 {strides = array<i32>} : memref<2048xi32, #tpu.memory_space<vmem>>, vector<16xi32>,
    %get3A_1249 = arith.constant 512 : index
    %get3A_1250 = tpu.vector_load %arg5[%get3A_1249] {strides = array<i32>} : memref<1024xi32, #tpu.memory_space<vmem>>, vector<16xi32>,
    %get3A_1251 = vector.shape_cast %get3A_1250 : vector<16xi32> to vector<16xi32>
    %add3A_1252 = arith.constant 1 : i32
    %add3A_1253 = arith.addi %mul3A_2, %add3A_1252 : i32
    %mul3A_1254 = arith.constant 100000 : i32
    %mul3A_1255 = arith.muli %add3A_1253, %mul3A_1254 : i32
    %add3A_1256 = vector.broadcast %mul3A_1255 : i32 to vector<16xi32>
    %add3A_1257 = arith.addi %get3A_1251, %add3A_1256 : vector<16xi32>
    %swap3A_1258 = arith.constant 1536 : index
    %swap3A_1259 = tpu.vector_load %arg6[%swap3A_1258] {strides = array<i32>} : memref<2048xi32, #tpu.memory_space<vmem>>, vector<16xi32>,
    %swap3A_1260 = vector.shape_cast %swap3A_1259 : vector<16xi32> to vector<16xi32>
    %swap3A_1261 = vector.shape_cast %add3A_1257 : vector<16xi32> to vector<16xi32>
    tpu.vector_store %arg6[%swap3A_1258], %swap3A_1261 {strides = array<i32>} : memref<2048xi32, #tpu.memory_space<vmem>>, vector<16xi32>,
    %get3A_1262 = arith.constant 528 : index
    %get3A_1263 = tpu.vector_load %arg5[%get3A_1262] {strides = array<i32>} : memref<1024xi32, #tpu.memory_space<vmem>>, vector<16xi32>,
    %get3A_1264 = vector.shape_cast %get3A_1263 : vector<16xi32> to vector<16xi32>
    %add3A_1265 = arith.constant 1 : i32
    %add3A_1266 = arith.addi %mul3A_2, %add3A_1265 : i32
    %mul3A_1267 = arith.constant 100000 : i32
    %mul3A_1268 = arith.muli %add3A_1266, %mul3A_1267 : i32
    %add3A_1269 = vector.broadcast %mul3A_1268 : i32 to vector<16xi32>
    %add3A_1270 = arith.addi %get3A_1264, %add3A_1269 : vector<16xi32>
    %swap3A_1271 = arith.constant 1552 : index
    %swap3A_1272 = tpu.vector_load %arg6[%swap3A_1271] {strides = array<i32>} : memref<2048xi32, #tpu.memory_space<vmem>>, vector<16xi32>,
    %swap3A_1273 = vector.shape_cast %swap3A_1272 : vector<16xi32> to vector<16xi32>
    %swap3A_1274 = vector.shape_cast %add3A_1270 : vector<16xi32> to vector<16xi32>
    tpu.vector_store %arg6[%swap3A_1271], %swap3A_1274 {strides = array<i32>} : memref<2048xi32, #tpu.memory_space<vmem>>, vector<16xi32>,
    %get3A_1275 = arith.constant 544 : index
    %get3A_1276 = tpu.vector_load %arg5[%get3A_1275] {strides = array<i32>} : memref<1024xi32, #tpu.memory_space<vmem>>, vector<16xi32>,
    %get3A_1277 = vector.shape_cast %get3A_1276 : vector<16xi32> to vector<16xi32>
    %add3A_1278 = arith.constant 1 : i32
    %add3A_1279 = arith.addi %mul3A_2, %add3A_1278 : i32
    %mul3A_1280 = arith.constant 100000 : i32
    %mul3A_1281 = arith.muli %add3A_1279, %mul3A_1280 : i32
    %add3A_1282 = vector.broadcast %mul3A_1281 : i32 to vector<16xi32>
    %add3A_1283 = arith.addi %get3A_1277, %add3A_1282 : vector<16xi32>
    %swap3A_1284 = arith.constant 1568 : index
    %swap3A_1285 = tpu.vector_load %arg6[%swap3A_1284] {strides = array<i32>} : memref<2048xi32, #tpu.memory_space<vmem>>, vector<16xi32>,
    %swap3A_1286 = vector.shape_cast %swap3A_1285 : vector<16xi32> to vector<16xi32>
    %swap3A_1287 = vector.shape_cast %add3A_1283 : vector<16xi32> to vector<16xi32>
    tpu.vector_store %arg6[%swap3A_1284], %swap3A_1287 {strides = array<i32>} : memref<2048xi32, #tpu.memory_space<vmem>>, vector<16xi32>,
    %get3A_1288 = arith.constant 560 : index
    %get3A_1289 = tpu.vector_load %arg5[%get3A_1288] {strides = array<i32>} : memref<1024xi32, #tpu.memory_space<vmem>>, vector<16xi32>,
    %get3A_1290 = vector.shape_cast %get3A_1289 : vector<16xi32> to vector<16xi32>
    %add3A_1291 = arith.constant 1 : i32
    %add3A_1292 = arith.addi %mul3A_2, %add3A_1291 : i32
    %mul3A_1293 = arith.constant 100000 : i32
    %mul3A_1294 = arith.muli %add3A_1292, %mul3A_1293 : i32
    %add3A_1295 = vector.broadcast %mul3A_1294 : i32 to vector<16xi32>
    %add3A_1296 = arith.addi %get3A_1290, %add3A_1295 : vector<16xi32>
    %swap3A_1297 = arith.constant 1584 : index
    %swap3A_1298 = tpu.vector_load %arg6[%swap3A_1297] {strides = array<i32>} : memref<2048xi32, #tpu.memory_space<vmem>>, vector<16xi32>,
    %swap3A_1299 = vector.shape_cast %swap3A_1298 : vector<16xi32> to vector<16xi32>
    %swap3A_1300 = vector.shape_cast %add3A_1296 : vector<16xi32> to vector<16xi32>
    tpu.vector_store %arg6[%swap3A_1297], %swap3A_1300 {strides = array<i32>} : memref<2048xi32, #tpu.memory_space<vmem>>, vector<16xi32>,
    %get3A_1301 = arith.constant 576 : index
    %get3A_1302 = tpu.vector_load %arg5[%get3A_1301] {strides = array<i32>} : memref<1024xi32, #tpu.memory_space<vmem>>, vector<16xi32>,
    %get3A_1303 = vector.shape_cast %get3A_1302 : vector<16xi32> to vector<16xi32>
    %add3A_1304 = arith.constant 1 : i32
    %add3A_1305 = arith.addi %mul3A_2, %add3A_1304 : i32
    %mul3A_1306 = arith.constant 100000 : i32
    %mul3A_1307 = arith.muli %add3A_1305, %mul3A_1306 : i32
    %add3A_1308 = vector.broadcast %mul3A_1307 : i32 to vector<16xi32>
    %add3A_1309 = arith.addi %get3A_1303, %add3A_1308 : vector<16xi32>
    %swap3A_1310 = arith.constant 1600 : index
    %swap3A_1311 = tpu.vector_load %arg6[%swap3A_1310] {strides = array<i32>} : memref<2048xi32, #tpu.memory_space<vmem>>, vector<16xi32>,
    %swap3A_1312 = vector.shape_cast %swap3A_1311 : vector<16xi32> to vector<16xi32>
    %swap3A_1313 = vector.shape_cast %add3A_1309 : vector<16xi32> to vector<16xi32>
    tpu.vector_store %arg6[%swap3A_1310], %swap3A_1313 {strides = array<i32>} : memref<2048xi32, #tpu.memory_space<vmem>>, vector<16xi32>,
    %get3A_1314 = arith.constant 592 : index
    %get3A_1315 = tpu.vector_load %arg5[%get3A_1314] {strides = array<i32>} : memref<1024xi32, #tpu.memory_space<vmem>>, vector<16xi32>,
    %get3A_1316 = vector.shape_cast %get3A_1315 : vector<16xi32> to vector<16xi32>
    %add3A_1317 = arith.constant 1 : i32
    %add3A_1318 = arith.addi %mul3A_2, %add3A_1317 : i32
    %mul3A_1319 = arith.constant 100000 : i32
    %mul3A_1320 = arith.muli %add3A_1318, %mul3A_1319 : i32
    %add3A_1321 = vector.broadcast %mul3A_1320 : i32 to vector<16xi32>
    %add3A_1322 = arith.addi %get3A_1316, %add3A_1321 : vector<16xi32>
    %swap3A_1323 = arith.constant 1616 : index
    %swap3A_1324 = tpu.vector_load %arg6[%swap3A_1323] {strides = array<i32>} : memref<2048xi32, #tpu.memory_space<vmem>>, vector<16xi32>,
    %swap3A_1325 = vector.shape_cast %swap3A_1324 : vector<16xi32> to vector<16xi32>
    %swap3A_1326 = vector.shape_cast %add3A_1322 : vector<16xi32> to vector<16xi32>
    tpu.vector_store %arg6[%swap3A_1323], %swap3A_1326 {strides = array<i32>} : memref<2048xi32, #tpu.memory_space<vmem>>, vector<16xi32>,
    %get3A_1327 = arith.constant 608 : index
    %get3A_1328 = tpu.vector_load %arg5[%get3A_1327] {strides = array<i32>} : memref<1024xi32, #tpu.memory_space<vmem>>, vector<16xi32>,
    %get3A_1329 = vector.shape_cast %get3A_1328 : vector<16xi32> to vector<16xi32>
    %add3A_1330 = arith.constant 1 : i32
    %add3A_1331 = arith.addi %mul3A_2, %add3A_1330 : i32
    %mul3A_1332 = arith.constant 100000 : i32
    %mul3A_1333 = arith.muli %add3A_1331, %mul3A_1332 : i32
    %add3A_1334 = vector.broadcast %mul3A_1333 : i32 to vector<16xi32>
    %add3A_1335 = arith.addi %get3A_1329, %add3A_1334 : vector<16xi32>
    %swap3A_1336 = arith.constant 1632 : index
    %swap3A_1337 = tpu.vector_load %arg6[%swap3A_1336] {strides = array<i32>} : memref<2048xi32, #tpu.memory_space<vmem>>, vector<16xi32>,
    %swap3A_1338 = vector.shape_cast %swap3A_1337 : vector<16xi32> to vector<16xi32>
    %swap3A_1339 = vector.shape_cast %add3A_1335 : vector<16xi32> to vector<16xi32>
    tpu.vector_store %arg6[%swap3A_1336], %swap3A_1339 {strides = array<i32>} : memref<2048xi32, #tpu.memory_space<vmem>>, vector<16xi32>,
    %get3A_1340 = arith.constant 624 : index
    %get3A_1341 = tpu.vector_load %arg5[%get3A_1340] {strides = array<i32>} : memref<1024xi32, #tpu.memory_space<vmem>>, vector<16xi32>,
    %get3A_1342 = vector.shape_cast %get3A_1341 : vector<16xi32> to vector<16xi32>
    %add3A_1343 = arith.constant 1 : i32
    %add3A_1344 = arith.addi %mul3A_2, %add3A_1343 : i32
    %mul3A_1345 = arith.constant 100000 : i32
    %mul3A_1346 = arith.muli %add3A_1344, %mul3A_1345 : i32
    %add3A_1347 = vector.broadcast %mul3A_1346 : i32 to vector<16xi32>
    %add3A_1348 = arith.addi %get3A_1342, %add3A_1347 : vector<16xi32>
    %swap3A_1349 = arith.constant 1648 : index
    %swap3A_1350 = tpu.vector_load %arg6[%swap3A_1349] {strides = array<i32>} : memref<2048xi32, #tpu.memory_space<vmem>>, vector<16xi32>,
    %swap3A_1351 = vector.shape_cast %swap3A_1350 : vector<16xi32> to vector<16xi32>
    %swap3A_1352 = vector.shape_cast %add3A_1348 : vector<16xi32> to vector<16xi32>
    tpu.vector_store %arg6[%swap3A_1349], %swap3A_1352 {strides = array<i32>} : memref<2048xi32, #tpu.memory_space<vmem>>, vector<16xi32>,
    %get3A_1353 = arith.constant 640 : index
    %get3A_1354 = tpu.vector_load %arg5[%get3A_1353] {strides = array<i32>} : memref<1024xi32, #tpu.memory_space<vmem>>, vector<16xi32>,
    %get3A_1355 = vector.shape_cast %get3A_1354 : vector<16xi32> to vector<16xi32>
    %add3A_1356 = arith.constant 1 : i32
    %add3A_1357 = arith.addi %mul3A_2, %add3A_1356 : i32
    %mul3A_1358 = arith.constant 100000 : i32
    %mul3A_1359 = arith.muli %add3A_1357, %mul3A_1358 : i32
    %add3A_1360 = vector.broadcast %mul3A_1359 : i32 to vector<16xi32>
    %add3A_1361 = arith.addi %get3A_1355, %add3A_1360 : vector<16xi32>
    %swap3A_1362 = arith.constant 1664 : index
    %swap3A_1363 = tpu.vector_load %arg6[%swap3A_1362] {strides = array<i32>} : memref<2048xi32, #tpu.memory_space<vmem>>, vector<16xi32>,
    %swap3A_1364 = vector.shape_cast %swap3A_1363 : vector<16xi32> to vector<16xi32>
    %swap3A_1365 = vector.shape_cast %add3A_1361 : vector<16xi32> to vector<16xi32>
    tpu.vector_store %arg6[%swap3A_1362], %swap3A_1365 {strides = array<i32>} : memref<2048xi32, #tpu.memory_space<vmem>>, vector<16xi32>,
    %get3A_1366 = arith.constant 656 : index
    %get3A_1367 = tpu.vector_load %arg5[%get3A_1366] {strides = array<i32>} : memref<1024xi32, #tpu.memory_space<vmem>>, vector<16xi32>,
    %get3A_1368 = vector.shape_cast %get3A_1367 : vector<16xi32> to vector<16xi32>
    %add3A_1369 = arith.constant 1 : i32
    %add3A_1370 = arith.addi %mul3A_2, %add3A_1369 : i32
    %mul3A_1371 = arith.constant 100000 : i32
    %mul3A_1372 = arith.muli %add3A_1370, %mul3A_1371 : i32
    %add3A_1373 = vector.broadcast %mul3A_1372 : i32 to vector<16xi32>
    %add3A_1374 = arith.addi %get3A_1368, %add3A_1373 : vector<16xi32>
    %swap3A_1375 = arith.constant 1680 : index
    %swap3A_1376 = tpu.vector_load %arg6[%swap3A_1375] {strides = array<i32>} : memref<2048xi32, #tpu.memory_space<vmem>>, vector<16xi32>,
    %swap3A_1377 = vector.shape_cast %swap3A_1376 : vector<16xi32> to vector<16xi32>
    %swap3A_1378 = vector.shape_cast %add3A_1374 : vector<16xi32> to vector<16xi32>
    tpu.vector_store %arg6[%swap3A_1375], %swap3A_1378 {strides = array<i32>} : memref<2048xi32, #tpu.memory_space<vmem>>, vector<16xi32>,
    %get3A_1379 = arith.constant 672 : index
    %get3A_1380 = tpu.vector_load %arg5[%get3A_1379] {strides = array<i32>} : memref<1024xi32, #tpu.memory_space<vmem>>, vector<16xi32>,
    %get3A_1381 = vector.shape_cast %get3A_1380 : vector<16xi32> to vector<16xi32>
    %add3A_1382 = arith.constant 1 : i32
    %add3A_1383 = arith.addi %mul3A_2, %add3A_1382 : i32
    %mul3A_1384 = arith.constant 100000 : i32
    %mul3A_1385 = arith.muli %add3A_1383, %mul3A_1384 : i32
    %add3A_1386 = vector.broadcast %mul3A_1385 : i32 to vector<16xi32>
    %add3A_1387 = arith.addi %get3A_1381, %add3A_1386 : vector<16xi32>
    %swap3A_1388 = arith.constant 1696 : index
    %swap3A_1389 = tpu.vector_load %arg6[%swap3A_1388] {strides = array<i32>} : memref<2048xi32, #tpu.memory_space<vmem>>, vector<16xi32>,
    %swap3A_1390 = vector.shape_cast %swap3A_1389 : vector<16xi32> to vector<16xi32>
    %swap3A_1391 = vector.shape_cast %add3A_1387 : vector<16xi32> to vector<16xi32>
    tpu.vector_store %arg6[%swap3A_1388], %swap3A_1391 {strides = array<i32>} : memref<2048xi32, #tpu.memory_space<vmem>>, vector<16xi32>,
    %get3A_1392 = arith.constant 688 : index
    %get3A_1393 = tpu.vector_load %arg5[%get3A_1392] {strides = array<i32>} : memref<1024xi32, #tpu.memory_space<vmem>>, vector<16xi32>,
    %get3A_1394 = vector.shape_cast %get3A_1393 : vector<16xi32> to vector<16xi32>
    %add3A_1395 = arith.constant 1 : i32
    %add3A_1396 = arith.addi %mul3A_2, %add3A_1395 : i32
    %mul3A_1397 = arith.constant 100000 : i32
    %mul3A_1398 = arith.muli %add3A_1396, %mul3A_1397 : i32
    %add3A_1399 = vector.broadcast %mul3A_1398 : i32 to vector<16xi32>
    %add3A_1400 = arith.addi %get3A_1394, %add3A_1399 : vector<16xi32>
    %swap3A_1401 = arith.constant 1712 : index
    %swap3A_1402 = tpu.vector_load %arg6[%swap3A_1401] {strides = array<i32>} : memref<2048xi32, #tpu.memory_space<vmem>>, vector<16xi32>,
    %swap3A_1403 = vector.shape_cast %swap3A_1402 : vector<16xi32> to vector<16xi32>
    %swap3A_1404 = vector.shape_cast %add3A_1400 : vector<16xi32> to vector<16xi32>
    tpu.vector_store %arg6[%swap3A_1401], %swap3A_1404 {strides = array<i32>} : memref<2048xi32, #tpu.memory_space<vmem>>, vector<16xi32>,
    %get3A_1405 = arith.constant 704 : index
    %get3A_1406 = tpu.vector_load %arg5[%get3A_1405] {strides = array<i32>} : memref<1024xi32, #tpu.memory_space<vmem>>, vector<16xi32>,
    %get3A_1407 = vector.shape_cast %get3A_1406 : vector<16xi32> to vector<16xi32>
    %add3A_1408 = arith.constant 1 : i32
    %add3A_1409 = arith.addi %mul3A_2, %add3A_1408 : i32
    %mul3A_1410 = arith.constant 100000 : i32
    %mul3A_1411 = arith.muli %add3A_1409, %mul3A_1410 : i32
    %add3A_1412 = vector.broadcast %mul3A_1411 : i32 to vector<16xi32>
    %add3A_1413 = arith.addi %get3A_1407, %add3A_1412 : vector<16xi32>
    %swap3A_1414 = arith.constant 1728 : index
    %swap3A_1415 = tpu.vector_load %arg6[%swap3A_1414] {strides = array<i32>} : memref<2048xi32, #tpu.memory_space<vmem>>, vector<16xi32>,
    %swap3A_1416 = vector.shape_cast %swap3A_1415 : vector<16xi32> to vector<16xi32>
    %swap3A_1417 = vector.shape_cast %add3A_1413 : vector<16xi32> to vector<16xi32>
    tpu.vector_store %arg6[%swap3A_1414], %swap3A_1417 {strides = array<i32>} : memref<2048xi32, #tpu.memory_space<vmem>>, vector<16xi32>,
    %get3A_1418 = arith.constant 720 : index
    %get3A_1419 = tpu.vector_load %arg5[%get3A_1418] {strides = array<i32>} : memref<1024xi32, #tpu.memory_space<vmem>>, vector<16xi32>,
    %get3A_1420 = vector.shape_cast %get3A_1419 : vector<16xi32> to vector<16xi32>
    %add3A_1421 = arith.constant 1 : i32
    %add3A_1422 = arith.addi %mul3A_2, %add3A_1421 : i32
    %mul3A_1423 = arith.constant 100000 : i32
    %mul3A_1424 = arith.muli %add3A_1422, %mul3A_1423 : i32
    %add3A_1425 = vector.broadcast %mul3A_1424 : i32 to vector<16xi32>
    %add3A_1426 = arith.addi %get3A_1420, %add3A_1425 : vector<16xi32>
    %swap3A_1427 = arith.constant 1744 : index
    %swap3A_1428 = tpu.vector_load %arg6[%swap3A_1427] {strides = array<i32>} : memref<2048xi32, #tpu.memory_space<vmem>>, vector<16xi32>,
    %swap3A_1429 = vector.shape_cast %swap3A_1428 : vector<16xi32> to vector<16xi32>
    %swap3A_1430 = vector.shape_cast %add3A_1426 : vector<16xi32> to vector<16xi32>
    tpu.vector_store %arg6[%swap3A_1427], %swap3A_1430 {strides = array<i32>} : memref<2048xi32, #tpu.memory_space<vmem>>, vector<16xi32>,
    %get3A_1431 = arith.constant 736 : index
    %get3A_1432 = tpu.vector_load %arg5[%get3A_1431] {strides = array<i32>} : memref<1024xi32, #tpu.memory_space<vmem>>, vector<16xi32>,
    %get3A_1433 = vector.shape_cast %get3A_1432 : vector<16xi32> to vector<16xi32>
    %add3A_1434 = arith.constant 1 : i32
    %add3A_1435 = arith.addi %mul3A_2, %add3A_1434 : i32
    %mul3A_1436 = arith.constant 100000 : i32
    %mul3A_1437 = arith.muli %add3A_1435, %mul3A_1436 : i32
    %add3A_1438 = vector.broadcast %mul3A_1437 : i32 to vector<16xi32>
    %add3A_1439 = arith.addi %get3A_1433, %add3A_1438 : vector<16xi32>
    %swap3A_1440 = arith.constant 1760 : index
    %swap3A_1441 = tpu.vector_load %arg6[%swap3A_1440] {strides = array<i32>} : memref<2048xi32, #tpu.memory_space<vmem>>, vector<16xi32>,
    %swap3A_1442 = vector.shape_cast %swap3A_1441 : vector<16xi32> to vector<16xi32>
    %swap3A_1443 = vector.shape_cast %add3A_1439 : vector<16xi32> to vector<16xi32>
    tpu.vector_store %arg6[%swap3A_1440], %swap3A_1443 {strides = array<i32>} : memref<2048xi32, #tpu.memory_space<vmem>>, vector<16xi32>,
    %get3A_1444 = arith.constant 752 : index
    %get3A_1445 = tpu.vector_load %arg5[%get3A_1444] {strides = array<i32>} : memref<1024xi32, #tpu.memory_space<vmem>>, vector<16xi32>,
    %get3A_1446 = vector.shape_cast %get3A_1445 : vector<16xi32> to vector<16xi32>
    %add3A_1447 = arith.constant 1 : i32
    %add3A_1448 = arith.addi %mul3A_2, %add3A_1447 : i32
    %mul3A_1449 = arith.constant 100000 : i32
    %mul3A_1450 = arith.muli %add3A_1448, %mul3A_1449 : i32
    %add3A_1451 = vector.broadcast %mul3A_1450 : i32 to vector<16xi32>
    %add3A_1452 = arith.addi %get3A_1446, %add3A_1451 : vector<16xi32>
    %swap3A_1453 = arith.constant 1776 : index
    %swap3A_1454 = tpu.vector_load %arg6[%swap3A_1453] {strides = array<i32>} : memref<2048xi32, #tpu.memory_space<vmem>>, vector<16xi32>,
    %swap3A_1455 = vector.shape_cast %swap3A_1454 : vector<16xi32> to vector<16xi32>
    %swap3A_1456 = vector.shape_cast %add3A_1452 : vector<16xi32> to vector<16xi32>
    tpu.vector_store %arg6[%swap3A_1453], %swap3A_1456 {strides = array<i32>} : memref<2048xi32, #tpu.memory_space<vmem>>, vector<16xi32>,
    %get3A_1457 = arith.constant 768 : index
    %get3A_1458 = tpu.vector_load %arg5[%get3A_1457] {strides = array<i32>} : memref<1024xi32, #tpu.memory_space<vmem>>, vector<16xi32>,
    %get3A_1459 = vector.shape_cast %get3A_1458 : vector<16xi32> to vector<16xi32>
    %add3A_1460 = arith.constant 1 : i32
    %add3A_1461 = arith.addi %mul3A_2, %add3A_1460 : i32
    %mul3A_1462 = arith.constant 100000 : i32
    %mul3A_1463 = arith.muli %add3A_1461, %mul3A_1462 : i32
    %add3A_1464 = vector.broadcast %mul3A_1463 : i32 to vector<16xi32>
    %add3A_1465 = arith.addi %get3A_1459, %add3A_1464 : vector<16xi32>
    %swap3A_1466 = arith.constant 1792 : index
    %swap3A_1467 = tpu.vector_load %arg6[%swap3A_1466] {strides = array<i32>} : memref<2048xi32, #tpu.memory_space<vmem>>, vector<16xi32>,
    %swap3A_1468 = vector.shape_cast %swap3A_1467 : vector<16xi32> to vector<16xi32>
    %swap3A_1469 = vector.shape_cast %add3A_1465 : vector<16xi32> to vector<16xi32>
    tpu.vector_store %arg6[%swap3A_1466], %swap3A_1469 {strides = array<i32>} : memref<2048xi32, #tpu.memory_space<vmem>>, vector<16xi32>,
    %get3A_1470 = arith.constant 784 : index
    %get3A_1471 = tpu.vector_load %arg5[%get3A_1470] {strides = array<i32>} : memref<1024xi32, #tpu.memory_space<vmem>>, vector<16xi32>,
    %get3A_1472 = vector.shape_cast %get3A_1471 : vector<16xi32> to vector<16xi32>
    %add3A_1473 = arith.constant 1 : i32
    %add3A_1474 = arith.addi %mul3A_2, %add3A_1473 : i32
    %mul3A_1475 = arith.constant 100000 : i32
    %mul3A_1476 = arith.muli %add3A_1474, %mul3A_1475 : i32
    %add3A_1477 = vector.broadcast %mul3A_1476 : i32 to vector<16xi32>
    %add3A_1478 = arith.addi %get3A_1472, %add3A_1477 : vector<16xi32>
    %swap3A_1479 = arith.constant 1808 : index
    %swap3A_1480 = tpu.vector_load %arg6[%swap3A_1479] {strides = array<i32>} : memref<2048xi32, #tpu.memory_space<vmem>>, vector<16xi32>,
    %swap3A_1481 = vector.shape_cast %swap3A_1480 : vector<16xi32> to vector<16xi32>
    %swap3A_1482 = vector.shape_cast %add3A_1478 : vector<16xi32> to vector<16xi32>
    tpu.vector_store %arg6[%swap3A_1479], %swap3A_1482 {strides = array<i32>} : memref<2048xi32, #tpu.memory_space<vmem>>, vector<16xi32>,
    %get3A_1483 = arith.constant 800 : index
    %get3A_1484 = tpu.vector_load %arg5[%get3A_1483] {strides = array<i32>} : memref<1024xi32, #tpu.memory_space<vmem>>, vector<16xi32>,
    %get3A_1485 = vector.shape_cast %get3A_1484 : vector<16xi32> to vector<16xi32>
    %add3A_1486 = arith.constant 1 : i32
    %add3A_1487 = arith.addi %mul3A_2, %add3A_1486 : i32
    %mul3A_1488 = arith.constant 100000 : i32
    %mul3A_1489 = arith.muli %add3A_1487, %mul3A_1488 : i32
    %add3A_1490 = vector.broadcast %mul3A_1489 : i32 to vector<16xi32>
    %add3A_1491 = arith.addi %get3A_1485, %add3A_1490 : vector<16xi32>
    %swap3A_1492 = arith.constant 1824 : index
    %swap3A_1493 = tpu.vector_load %arg6[%swap3A_1492] {strides = array<i32>} : memref<2048xi32, #tpu.memory_space<vmem>>, vector<16xi32>,
    %swap3A_1494 = vector.shape_cast %swap3A_1493 : vector<16xi32> to vector<16xi32>
    %swap3A_1495 = vector.shape_cast %add3A_1491 : vector<16xi32> to vector<16xi32>
    tpu.vector_store %arg6[%swap3A_1492], %swap3A_1495 {strides = array<i32>} : memref<2048xi32, #tpu.memory_space<vmem>>, vector<16xi32>,
    %get3A_1496 = arith.constant 816 : index
    %get3A_1497 = tpu.vector_load %arg5[%get3A_1496] {strides = array<i32>} : memref<1024xi32, #tpu.memory_space<vmem>>, vector<16xi32>,
    %get3A_1498 = vector.shape_cast %get3A_1497 : vector<16xi32> to vector<16xi32>
    %add3A_1499 = arith.constant 1 : i32
    %add3A_1500 = arith.addi %mul3A_2, %add3A_1499 : i32
    %mul3A_1501 = arith.constant 100000 : i32
    %mul3A_1502 = arith.muli %add3A_1500, %mul3A_1501 : i32
    %add3A_1503 = vector.broadcast %mul3A_1502 : i32 to vector<16xi32>
    %add3A_1504 = arith.addi %get3A_1498, %add3A_1503 : vector<16xi32>
    %swap3A_1505 = arith.constant 1840 : index
    %swap3A_1506 = tpu.vector_load %arg6[%swap3A_1505] {strides = array<i32>} : memref<2048xi32, #tpu.memory_space<vmem>>, vector<16xi32>,
    %swap3A_1507 = vector.shape_cast %swap3A_1506 : vector<16xi32> to vector<16xi32>
    %swap3A_1508 = vector.shape_cast %add3A_1504 : vector<16xi32> to vector<16xi32>
    tpu.vector_store %arg6[%swap3A_1505], %swap3A_1508 {strides = array<i32>} : memref<2048xi32, #tpu.memory_space<vmem>>, vector<16xi32>,
    %get3A_1509 = arith.constant 832 : index
    %get3A_1510 = tpu.vector_load %arg5[%get3A_1509] {strides = array<i32>} : memref<1024xi32, #tpu.memory_space<vmem>>, vector<16xi32>,
    %get3A_1511 = vector.shape_cast %get3A_1510 : vector<16xi32> to vector<16xi32>
    %add3A_1512 = arith.constant 1 : i32
    %add3A_1513 = arith.addi %mul3A_2, %add3A_1512 : i32
    %mul3A_1514 = arith.constant 100000 : i32
    %mul3A_1515 = arith.muli %add3A_1513, %mul3A_1514 : i32
    %add3A_1516 = vector.broadcast %mul3A_1515 : i32 to vector<16xi32>
    %add3A_1517 = arith.addi %get3A_1511, %add3A_1516 : vector<16xi32>
    %swap3A_1518 = arith.constant 1856 : index
    %swap3A_1519 = tpu.vector_load %arg6[%swap3A_1518] {strides = array<i32>} : memref<2048xi32, #tpu.memory_space<vmem>>, vector<16xi32>,
    %swap3A_1520 = vector.shape_cast %swap3A_1519 : vector<16xi32> to vector<16xi32>
    %swap3A_1521 = vector.shape_cast %add3A_1517 : vector<16xi32> to vector<16xi32>
    tpu.vector_store %arg6[%swap3A_1518], %swap3A_1521 {strides = array<i32>} : memref<2048xi32, #tpu.memory_space<vmem>>, vector<16xi32>,
    %get3A_1522 = arith.constant 848 : index
    %get3A_1523 = tpu.vector_load %arg5[%get3A_1522] {strides = array<i32>} : memref<1024xi32, #tpu.memory_space<vmem>>, vector<16xi32>,
    %get3A_1524 = vector.shape_cast %get3A_1523 : vector<16xi32> to vector<16xi32>
    %add3A_1525 = arith.constant 1 : i32
    %add3A_1526 = arith.addi %mul3A_2, %add3A_1525 : i32
    %mul3A_1527 = arith.constant 100000 : i32
    %mul3A_1528 = arith.muli %add3A_1526, %mul3A_1527 : i32
    %add3A_1529 = vector.broadcast %mul3A_1528 : i32 to vector<16xi32>
    %add3A_1530 = arith.addi %get3A_1524, %add3A_1529 : vector<16xi32>
    %swap3A_1531 = arith.constant 1872 : index
    %swap3A_1532 = tpu.vector_load %arg6[%swap3A_1531] {strides = array<i32>} : memref<2048xi32, #tpu.memory_space<vmem>>, vector<16xi32>,
    %swap3A_1533 = vector.shape_cast %swap3A_1532 : vector<16xi32> to vector<16xi32>
    %swap3A_1534 = vector.shape_cast %add3A_1530 : vector<16xi32> to vector<16xi32>
    tpu.vector_store %arg6[%swap3A_1531], %swap3A_1534 {strides = array<i32>} : memref<2048xi32, #tpu.memory_space<vmem>>, vector<16xi32>,
    %get3A_1535 = arith.constant 864 : index
    %get3A_1536 = tpu.vector_load %arg5[%get3A_1535] {strides = array<i32>} : memref<1024xi32, #tpu.memory_space<vmem>>, vector<16xi32>,
    %get3A_1537 = vector.shape_cast %get3A_1536 : vector<16xi32> to vector<16xi32>
    %add3A_1538 = arith.constant 1 : i32
    %add3A_1539 = arith.addi %mul3A_2, %add3A_1538 : i32
    %mul3A_1540 = arith.constant 100000 : i32
    %mul3A_1541 = arith.muli %add3A_1539, %mul3A_1540 : i32
    %add3A_1542 = vector.broadcast %mul3A_1541 : i32 to vector<16xi32>
    %add3A_1543 = arith.addi %get3A_1537, %add3A_1542 : vector<16xi32>
    %swap3A_1544 = arith.constant 1888 : index
    %swap3A_1545 = tpu.vector_load %arg6[%swap3A_1544] {strides = array<i32>} : memref<2048xi32, #tpu.memory_space<vmem>>, vector<16xi32>,
    %swap3A_1546 = vector.shape_cast %swap3A_1545 : vector<16xi32> to vector<16xi32>
    %swap3A_1547 = vector.shape_cast %add3A_1543 : vector<16xi32> to vector<16xi32>
    tpu.vector_store %arg6[%swap3A_1544], %swap3A_1547 {strides = array<i32>} : memref<2048xi32, #tpu.memory_space<vmem>>, vector<16xi32>,
    %get3A_1548 = arith.constant 880 : index
    %get3A_1549 = tpu.vector_load %arg5[%get3A_1548] {strides = array<i32>} : memref<1024xi32, #tpu.memory_space<vmem>>, vector<16xi32>,
    %get3A_1550 = vector.shape_cast %get3A_1549 : vector<16xi32> to vector<16xi32>
    %add3A_1551 = arith.constant 1 : i32
    %add3A_1552 = arith.addi %mul3A_2, %add3A_1551 : i32
    %mul3A_1553 = arith.constant 100000 : i32
    %mul3A_1554 = arith.muli %add3A_1552, %mul3A_1553 : i32
    %add3A_1555 = vector.broadcast %mul3A_1554 : i32 to vector<16xi32>
    %add3A_1556 = arith.addi %get3A_1550, %add3A_1555 : vector<16xi32>
    %swap3A_1557 = arith.constant 1904 : index
    %swap3A_1558 = tpu.vector_load %arg6[%swap3A_1557] {strides = array<i32>} : memref<2048xi32, #tpu.memory_space<vmem>>, vector<16xi32>,
    %swap3A_1559 = vector.shape_cast %swap3A_1558 : vector<16xi32> to vector<16xi32>
    %swap3A_1560 = vector.shape_cast %add3A_1556 : vector<16xi32> to vector<16xi32>
    tpu.vector_store %arg6[%swap3A_1557], %swap3A_1560 {strides = array<i32>} : memref<2048xi32, #tpu.memory_space<vmem>>, vector<16xi32>,
    %get3A_1561 = arith.constant 896 : index
    %get3A_1562 = tpu.vector_load %arg5[%get3A_1561] {strides = array<i32>} : memref<1024xi32, #tpu.memory_space<vmem>>, vector<16xi32>,
    %get3A_1563 = vector.shape_cast %get3A_1562 : vector<16xi32> to vector<16xi32>
    %add3A_1564 = arith.constant 1 : i32
    %add3A_1565 = arith.addi %mul3A_2, %add3A_1564 : i32
    %mul3A_1566 = arith.constant 100000 : i32
    %mul3A_1567 = arith.muli %add3A_1565, %mul3A_1566 : i32
    %add3A_1568 = vector.broadcast %mul3A_1567 : i32 to vector<16xi32>
    %add3A_1569 = arith.addi %get3A_1563, %add3A_1568 : vector<16xi32>
    %swap3A_1570 = arith.constant 1920 : index
    %swap3A_1571 = tpu.vector_load %arg6[%swap3A_1570] {strides = array<i32>} : memref<2048xi32, #tpu.memory_space<vmem>>, vector<16xi32>,
    %swap3A_1572 = vector.shape_cast %swap3A_1571 : vector<16xi32> to vector<16xi32>
    %swap3A_1573 = vector.shape_cast %add3A_1569 : vector<16xi32> to vector<16xi32>
    tpu.vector_store %arg6[%swap3A_1570], %swap3A_1573 {strides = array<i32>} : memref<2048xi32, #tpu.memory_space<vmem>>, vector<16xi32>,
    %get3A_1574 = arith.constant 912 : index
    %get3A_1575 = tpu.vector_load %arg5[%get3A_1574] {strides = array<i32>} : memref<1024xi32, #tpu.memory_space<vmem>>, vector<16xi32>,
    %get3A_1576 = vector.shape_cast %get3A_1575 : vector<16xi32> to vector<16xi32>
    %add3A_1577 = arith.constant 1 : i32
    %add3A_1578 = arith.addi %mul3A_2, %add3A_1577 : i32
    %mul3A_1579 = arith.constant 100000 : i32
    %mul3A_1580 = arith.muli %add3A_1578, %mul3A_1579 : i32
    %add3A_1581 = vector.broadcast %mul3A_1580 : i32 to vector<16xi32>
    %add3A_1582 = arith.addi %get3A_1576, %add3A_1581 : vector<16xi32>
    %swap3A_1583 = arith.constant 1936 : index
    %swap3A_1584 = tpu.vector_load %arg6[%swap3A_1583] {strides = array<i32>} : memref<2048xi32, #tpu.memory_space<vmem>>, vector<16xi32>,
    %swap3A_1585 = vector.shape_cast %swap3A_1584 : vector<16xi32> to vector<16xi32>
    %swap3A_1586 = vector.shape_cast %add3A_1582 : vector<16xi32> to vector<16xi32>
    tpu.vector_store %arg6[%swap3A_1583], %swap3A_1586 {strides = array<i32>} : memref<2048xi32, #tpu.memory_space<vmem>>, vector<16xi32>,
    %get3A_1587 = arith.constant 928 : index
    %get3A_1588 = tpu.vector_load %arg5[%get3A_1587] {strides = array<i32>} : memref<1024xi32, #tpu.memory_space<vmem>>, vector<16xi32>,
    %get3A_1589 = vector.shape_cast %get3A_1588 : vector<16xi32> to vector<16xi32>
    %add3A_1590 = arith.constant 1 : i32
    %add3A_1591 = arith.addi %mul3A_2, %add3A_1590 : i32
    %mul3A_1592 = arith.constant 100000 : i32
    %mul3A_1593 = arith.muli %add3A_1591, %mul3A_1592 : i32
    %add3A_1594 = vector.broadcast %mul3A_1593 : i32 to vector<16xi32>
    %add3A_1595 = arith.addi %get3A_1589, %add3A_1594 : vector<16xi32>
    %swap3A_1596 = arith.constant 1952 : index
    %swap3A_1597 = tpu.vector_load %arg6[%swap3A_1596] {strides = array<i32>} : memref<2048xi32, #tpu.memory_space<vmem>>, vector<16xi32>,
    %swap3A_1598 = vector.shape_cast %swap3A_1597 : vector<16xi32> to vector<16xi32>
    %swap3A_1599 = vector.shape_cast %add3A_1595 : vector<16xi32> to vector<16xi32>
    tpu.vector_store %arg6[%swap3A_1596], %swap3A_1599 {strides = array<i32>} : memref<2048xi32, #tpu.memory_space<vmem>>, vector<16xi32>,
    %get3A_1600 = arith.constant 944 : index
    %get3A_1601 = tpu.vector_load %arg5[%get3A_1600] {strides = array<i32>} : memref<1024xi32, #tpu.memory_space<vmem>>, vector<16xi32>,
    %get3A_1602 = vector.shape_cast %get3A_1601 : vector<16xi32> to vector<16xi32>
    %add3A_1603 = arith.constant 1 : i32
    %add3A_1604 = arith.addi %mul3A_2, %add3A_1603 : i32
    %mul3A_1605 = arith.constant 100000 : i32
    %mul3A_1606 = arith.muli %add3A_1604, %mul3A_1605 : i32
    %add3A_1607 = vector.broadcast %mul3A_1606 : i32 to vector<16xi32>
    %add3A_1608 = arith.addi %get3A_1602, %add3A_1607 : vector<16xi32>
    %swap3A_1609 = arith.constant 1968 : index
    %swap3A_1610 = tpu.vector_load %arg6[%swap3A_1609] {strides = array<i32>} : memref<2048xi32, #tpu.memory_space<vmem>>, vector<16xi32>,
    %swap3A_1611 = vector.shape_cast %swap3A_1610 : vector<16xi32> to vector<16xi32>
    %swap3A_1612 = vector.shape_cast %add3A_1608 : vector<16xi32> to vector<16xi32>
    tpu.vector_store %arg6[%swap3A_1609], %swap3A_1612 {strides = array<i32>} : memref<2048xi32, #tpu.memory_space<vmem>>, vector<16xi32>,
    %get3A_1613 = arith.constant 960 : index
    %get3A_1614 = tpu.vector_load %arg5[%get3A_1613] {strides = array<i32>} : memref<1024xi32, #tpu.memory_space<vmem>>, vector<16xi32>,
    %get3A_1615 = vector.shape_cast %get3A_1614 : vector<16xi32> to vector<16xi32>
    %add3A_1616 = arith.constant 1 : i32
    %add3A_1617 = arith.addi %mul3A_2, %add3A_1616 : i32
    %mul3A_1618 = arith.constant 100000 : i32
    %mul3A_1619 = arith.muli %add3A_1617, %mul3A_1618 : i32
    %add3A_1620 = vector.broadcast %mul3A_1619 : i32 to vector<16xi32>
    %add3A_1621 = arith.addi %get3A_1615, %add3A_1620 : vector<16xi32>
    %swap3A_1622 = arith.constant 1984 : index
    %swap3A_1623 = tpu.vector_load %arg6[%swap3A_1622] {strides = array<i32>} : memref<2048xi32, #tpu.memory_space<vmem>>, vector<16xi32>,
    %swap3A_1624 = vector.shape_cast %swap3A_1623 : vector<16xi32> to vector<16xi32>
    %swap3A_1625 = vector.shape_cast %add3A_1621 : vector<16xi32> to vector<16xi32>
    tpu.vector_store %arg6[%swap3A_1622], %swap3A_1625 {strides = array<i32>} : memref<2048xi32, #tpu.memory_space<vmem>>, vector<16xi32>,
    %get3A_1626 = arith.constant 976 : index
    %get3A_1627 = tpu.vector_load %arg5[%get3A_1626] {strides = array<i32>} : memref<1024xi32, #tpu.memory_space<vmem>>, vector<16xi32>,
    %get3A_1628 = vector.shape_cast %get3A_1627 : vector<16xi32> to vector<16xi32>
    %add3A_1629 = arith.constant 1 : i32
    %add3A_1630 = arith.addi %mul3A_2, %add3A_1629 : i32
    %mul3A_1631 = arith.constant 100000 : i32
    %mul3A_1632 = arith.muli %add3A_1630, %mul3A_1631 : i32
    %add3A_1633 = vector.broadcast %mul3A_1632 : i32 to vector<16xi32>
    %add3A_1634 = arith.addi %get3A_1628, %add3A_1633 : vector<16xi32>
    %swap3A_1635 = arith.constant 2000 : index
    %swap3A_1636 = tpu.vector_load %arg6[%swap3A_1635] {strides = array<i32>} : memref<2048xi32, #tpu.memory_space<vmem>>, vector<16xi32>,
    %swap3A_1637 = vector.shape_cast %swap3A_1636 : vector<16xi32> to vector<16xi32>
    %swap3A_1638 = vector.shape_cast %add3A_1634 : vector<16xi32> to vector<16xi32>
    tpu.vector_store %arg6[%swap3A_1635], %swap3A_1638 {strides = array<i32>} : memref<2048xi32, #tpu.memory_space<vmem>>, vector<16xi32>,
    %get3A_1639 = arith.constant 992 : index
    %get3A_1640 = tpu.vector_load %arg5[%get3A_1639] {strides = array<i32>} : memref<1024xi32, #tpu.memory_space<vmem>>, vector<16xi32>,
    %get3A_1641 = vector.shape_cast %get3A_1640 : vector<16xi32> to vector<16xi32>
    %add3A_1642 = arith.constant 1 : i32
    %add3A_1643 = arith.addi %mul3A_2, %add3A_1642 : i32
    %mul3A_1644 = arith.constant 100000 : i32
    %mul3A_1645 = arith.muli %add3A_1643, %mul3A_1644 : i32
    %add3A_1646 = vector.broadcast %mul3A_1645 : i32 to vector<16xi32>
    %add3A_1647 = arith.addi %get3A_1641, %add3A_1646 : vector<16xi32>
    %swap3A_1648 = arith.constant 2016 : index
    %swap3A_1649 = tpu.vector_load %arg6[%swap3A_1648] {strides = array<i32>} : memref<2048xi32, #tpu.memory_space<vmem>>, vector<16xi32>,
    %swap3A_1650 = vector.shape_cast %swap3A_1649 : vector<16xi32> to vector<16xi32>
    %swap3A_1651 = vector.shape_cast %add3A_1647 : vector<16xi32> to vector<16xi32>
    tpu.vector_store %arg6[%swap3A_1648], %swap3A_1651 {strides = array<i32>} : memref<2048xi32, #tpu.memory_space<vmem>>, vector<16xi32>,
    %get3A_1652 = arith.constant 1008 : index
    %get3A_1653 = tpu.vector_load %arg5[%get3A_1652] {strides = array<i32>} : memref<1024xi32, #tpu.memory_space<vmem>>, vector<16xi32>,
    %get3A_1654 = vector.shape_cast %get3A_1653 : vector<16xi32> to vector<16xi32>
    %add3A_1655 = arith.constant 1 : i32
    %add3A_1656 = arith.addi %mul3A_2, %add3A_1655 : i32
    %mul3A_1657 = arith.constant 100000 : i32
    %mul3A_1658 = arith.muli %add3A_1656, %mul3A_1657 : i32
    %add3A_1659 = vector.broadcast %mul3A_1658 : i32 to vector<16xi32>
    %add3A_1660 = arith.addi %get3A_1654, %add3A_1659 : vector<16xi32>
    %swap3A_1661 = arith.constant 2032 : index
    %swap3A_1662 = tpu.vector_load %arg6[%swap3A_1661] {strides = array<i32>} : memref<2048xi32, #tpu.memory_space<vmem>>, vector<16xi32>,
    %swap3A_1663 = vector.shape_cast %swap3A_1662 : vector<16xi32> to vector<16xi32>
    %swap3A_1664 = vector.shape_cast %add3A_1660 : vector<16xi32> to vector<16xi32>
    tpu.vector_store %arg6[%swap3A_1661], %swap3A_1664 {strides = array<i32>} : memref<2048xi32, #tpu.memory_space<vmem>>, vector<16xi32>,
    %dma_start3A = arith.constant 0 : i32
    %dma_start3A_1665 = tpu.memref_slice %arg7[%dma_start3A] : memref<2048xf32, #tpu.memory_space<vmem>> -> memref<128xf32, #tpu.memory_space<vmem>>
    %dma_start3A_1666 = arith.constant 0 : i32
    %dma_start3A_1667 = tpu.memref_slice %arg6[%dma_start3A_1666] : memref<2048xi32, #tpu.memory_space<vmem>> -> memref<128xi32, #tpu.memory_space<vmem>>
    %dma_start3A_1668 = arith.constant 0 : i32
    %dma_start3A_1669 = tpu.memref_slice %arg2[%dma_start3A_1668] : memref<6400000xf32, #tpu.memory_space<hbm>> -> memref<6400000xf32, #tpu.memory_space<hbm>>
    tpu.enqueue_indirect_dma source(%dma_start3A_1669 : memref<6400000xf32, #tpu.memory_space<hbm>>) target(%dma_start3A_1665 : memref<128xf32, #tpu.memory_space<vmem>>) offsets(%dma_start3A_1667 : memref<128xi32, #tpu.memory_space<vmem>>) semaphore(%arg8 : memref<!tpu.dma_semaphore, #tpu.memory_space<semaphore_mem>>)
    %dma_start3A_1670 = arith.constant 128 : i32
    %dma_start3A_1671 = tpu.memref_slice %arg7[%dma_start3A_1670] : memref<2048xf32, #tpu.memory_space<vmem>> -> memref<128xf32, #tpu.memory_space<vmem>>
    %dma_start3A_1672 = arith.constant 128 : i32
    %dma_start3A_1673 = tpu.memref_slice %arg6[%dma_start3A_1672] : memref<2048xi32, #tpu.memory_space<vmem>> -> memref<128xi32, #tpu.memory_space<vmem>>
    %dma_start3A_1674 = arith.constant 0 : i32
    %dma_start3A_1675 = tpu.memref_slice %arg2[%dma_start3A_1674] : memref<6400000xf32, #tpu.memory_space<hbm>> -> memref<6400000xf32, #tpu.memory_space<hbm>>
    tpu.enqueue_indirect_dma source(%dma_start3A_1675 : memref<6400000xf32, #tpu.memory_space<hbm>>) target(%dma_start3A_1671 : memref<128xf32, #tpu.memory_space<vmem>>) offsets(%dma_start3A_1673 : memref<128xi32, #tpu.memory_space<vmem>>) semaphore(%arg8 : memref<!tpu.dma_semaphore, #tpu.memory_space<semaphore_mem>>)
    %dma_start3A_1676 = arith.constant 256 : i32
    %dma_start3A_1677 = tpu.memref_slice %arg7[%dma_start3A_1676] : memref<2048xf32, #tpu.memory_space<vmem>> -> memref<128xf32, #tpu.memory_space<vmem>>
    %dma_start3A_1678 = arith.constant 256 : i32
    %dma_start3A_1679 = tpu.memref_slice %arg6[%dma_start3A_1678] : memref<2048xi32, #tpu.memory_space<vmem>> -> memref<128xi32, #tpu.memory_space<vmem>>
    %dma_start3A_1680 = arith.constant 0 : i32
    %dma_start3A_1681 = tpu.memref_slice %arg2[%dma_start3A_1680] : memref<6400000xf32, #tpu.memory_space<hbm>> -> memref<6400000xf32, #tpu.memory_space<hbm>>
    tpu.enqueue_indirect_dma source(%dma_start3A_1681 : memref<6400000xf32, #tpu.memory_space<hbm>>) target(%dma_start3A_1677 : memref<128xf32, #tpu.memory_space<vmem>>) offsets(%dma_start3A_1679 : memref<128xi32, #tpu.memory_space<vmem>>) semaphore(%arg8 : memref<!tpu.dma_semaphore, #tpu.memory_space<semaphore_mem>>)
    %dma_start3A_1682 = arith.constant 384 : i32
    %dma_start3A_1683 = tpu.memref_slice %arg7[%dma_start3A_1682] : memref<2048xf32, #tpu.memory_space<vmem>> -> memref<128xf32, #tpu.memory_space<vmem>>
    %dma_start3A_1684 = arith.constant 384 : i32
    %dma_start3A_1685 = tpu.memref_slice %arg6[%dma_start3A_1684] : memref<2048xi32, #tpu.memory_space<vmem>> -> memref<128xi32, #tpu.memory_space<vmem>>
    %dma_start3A_1686 = arith.constant 0 : i32
    %dma_start3A_1687 = tpu.memref_slice %arg2[%dma_start3A_1686] : memref<6400000xf32, #tpu.memory_space<hbm>> -> memref<6400000xf32, #tpu.memory_space<hbm>>
    tpu.enqueue_indirect_dma source(%dma_start3A_1687 : memref<6400000xf32, #tpu.memory_space<hbm>>) target(%dma_start3A_1683 : memref<128xf32, #tpu.memory_space<vmem>>) offsets(%dma_start3A_1685 : memref<128xi32, #tpu.memory_space<vmem>>) semaphore(%arg8 : memref<!tpu.dma_semaphore, #tpu.memory_space<semaphore_mem>>)
    %dma_start3A_1688 = arith.constant 512 : i32
    %dma_start3A_1689 = tpu.memref_slice %arg7[%dma_start3A_1688] : memref<2048xf32, #tpu.memory_space<vmem>> -> memref<128xf32, #tpu.memory_space<vmem>>
    %dma_start3A_1690 = arith.constant 512 : i32
    %dma_start3A_1691 = tpu.memref_slice %arg6[%dma_start3A_1690] : memref<2048xi32, #tpu.memory_space<vmem>> -> memref<128xi32, #tpu.memory_space<vmem>>
    %dma_start3A_1692 = arith.constant 0 : i32
    %dma_start3A_1693 = tpu.memref_slice %arg2[%dma_start3A_1692] : memref<6400000xf32, #tpu.memory_space<hbm>> -> memref<6400000xf32, #tpu.memory_space<hbm>>
    tpu.enqueue_indirect_dma source(%dma_start3A_1693 : memref<6400000xf32, #tpu.memory_space<hbm>>) target(%dma_start3A_1689 : memref<128xf32, #tpu.memory_space<vmem>>) offsets(%dma_start3A_1691 : memref<128xi32, #tpu.memory_space<vmem>>) semaphore(%arg8 : memref<!tpu.dma_semaphore, #tpu.memory_space<semaphore_mem>>)
    %dma_start3A_1694 = arith.constant 640 : i32
    %dma_start3A_1695 = tpu.memref_slice %arg7[%dma_start3A_1694] : memref<2048xf32, #tpu.memory_space<vmem>> -> memref<128xf32, #tpu.memory_space<vmem>>
    %dma_start3A_1696 = arith.constant 640 : i32
    %dma_start3A_1697 = tpu.memref_slice %arg6[%dma_start3A_1696] : memref<2048xi32, #tpu.memory_space<vmem>> -> memref<128xi32, #tpu.memory_space<vmem>>
    %dma_start3A_1698 = arith.constant 0 : i32
    %dma_start3A_1699 = tpu.memref_slice %arg2[%dma_start3A_1698] : memref<6400000xf32, #tpu.memory_space<hbm>> -> memref<6400000xf32, #tpu.memory_space<hbm>>
    tpu.enqueue_indirect_dma source(%dma_start3A_1699 : memref<6400000xf32, #tpu.memory_space<hbm>>) target(%dma_start3A_1695 : memref<128xf32, #tpu.memory_space<vmem>>) offsets(%dma_start3A_1697 : memref<128xi32, #tpu.memory_space<vmem>>) semaphore(%arg8 : memref<!tpu.dma_semaphore, #tpu.memory_space<semaphore_mem>>)
    %dma_start3A_1700 = arith.constant 768 : i32
    %dma_start3A_1701 = tpu.memref_slice %arg7[%dma_start3A_1700] : memref<2048xf32, #tpu.memory_space<vmem>> -> memref<128xf32, #tpu.memory_space<vmem>>
    %dma_start3A_1702 = arith.constant 768 : i32
    %dma_start3A_1703 = tpu.memref_slice %arg6[%dma_start3A_1702] : memref<2048xi32, #tpu.memory_space<vmem>> -> memref<128xi32, #tpu.memory_space<vmem>>
    %dma_start3A_1704 = arith.constant 0 : i32
    %dma_start3A_1705 = tpu.memref_slice %arg2[%dma_start3A_1704] : memref<6400000xf32, #tpu.memory_space<hbm>> -> memref<6400000xf32, #tpu.memory_space<hbm>>
    tpu.enqueue_indirect_dma source(%dma_start3A_1705 : memref<6400000xf32, #tpu.memory_space<hbm>>) target(%dma_start3A_1701 : memref<128xf32, #tpu.memory_space<vmem>>) offsets(%dma_start3A_1703 : memref<128xi32, #tpu.memory_space<vmem>>) semaphore(%arg8 : memref<!tpu.dma_semaphore, #tpu.memory_space<semaphore_mem>>)
    %dma_start3A_1706 = arith.constant 896 : i32
    %dma_start3A_1707 = tpu.memref_slice %arg7[%dma_start3A_1706] : memref<2048xf32, #tpu.memory_space<vmem>> -> memref<128xf32, #tpu.memory_space<vmem>>
    %dma_start3A_1708 = arith.constant 896 : i32
    %dma_start3A_1709 = tpu.memref_slice %arg6[%dma_start3A_1708] : memref<2048xi32, #tpu.memory_space<vmem>> -> memref<128xi32, #tpu.memory_space<vmem>>
    %dma_start3A_1710 = arith.constant 0 : i32
    %dma_start3A_1711 = tpu.memref_slice %arg2[%dma_start3A_1710] : memref<6400000xf32, #tpu.memory_space<hbm>> -> memref<6400000xf32, #tpu.memory_space<hbm>>
    tpu.enqueue_indirect_dma source(%dma_start3A_1711 : memref<6400000xf32, #tpu.memory_space<hbm>>) target(%dma_start3A_1707 : memref<128xf32, #tpu.memory_space<vmem>>) offsets(%dma_start3A_1709 : memref<128xi32, #tpu.memory_space<vmem>>) semaphore(%arg8 : memref<!tpu.dma_semaphore, #tpu.memory_space<semaphore_mem>>)
    %dma_start3A_1712 = arith.constant 1024 : i32
    %dma_start3A_1713 = tpu.memref_slice %arg7[%dma_start3A_1712] : memref<2048xf32, #tpu.memory_space<vmem>> -> memref<128xf32, #tpu.memory_space<vmem>>
    %dma_start3A_1714 = arith.constant 1024 : i32
    %dma_start3A_1715 = tpu.memref_slice %arg6[%dma_start3A_1714] : memref<2048xi32, #tpu.memory_space<vmem>> -> memref<128xi32, #tpu.memory_space<vmem>>
    %dma_start3A_1716 = arith.constant 0 : i32
    %dma_start3A_1717 = tpu.memref_slice %arg2[%dma_start3A_1716] : memref<6400000xf32, #tpu.memory_space<hbm>> -> memref<6400000xf32, #tpu.memory_space<hbm>>
    tpu.enqueue_indirect_dma source(%dma_start3A_1717 : memref<6400000xf32, #tpu.memory_space<hbm>>) target(%dma_start3A_1713 : memref<128xf32, #tpu.memory_space<vmem>>) offsets(%dma_start3A_1715 : memref<128xi32, #tpu.memory_space<vmem>>) semaphore(%arg8 : memref<!tpu.dma_semaphore, #tpu.memory_space<semaphore_mem>>)
    %dma_start3A_1718 = arith.constant 1152 : i32
    %dma_start3A_1719 = tpu.memref_slice %arg7[%dma_start3A_1718] : memref<2048xf32, #tpu.memory_space<vmem>> -> memref<128xf32, #tpu.memory_space<vmem>>
    %dma_start3A_1720 = arith.constant 1152 : i32
    %dma_start3A_1721 = tpu.memref_slice %arg6[%dma_start3A_1720] : memref<2048xi32, #tpu.memory_space<vmem>> -> memref<128xi32, #tpu.memory_space<vmem>>
    %dma_start3A_1722 = arith.constant 0 : i32
    %dma_start3A_1723 = tpu.memref_slice %arg2[%dma_start3A_1722] : memref<6400000xf32, #tpu.memory_space<hbm>> -> memref<6400000xf32, #tpu.memory_space<hbm>>
    tpu.enqueue_indirect_dma source(%dma_start3A_1723 : memref<6400000xf32, #tpu.memory_space<hbm>>) target(%dma_start3A_1719 : memref<128xf32, #tpu.memory_space<vmem>>) offsets(%dma_start3A_1721 : memref<128xi32, #tpu.memory_space<vmem>>) semaphore(%arg8 : memref<!tpu.dma_semaphore, #tpu.memory_space<semaphore_mem>>)
    %dma_start3A_1724 = arith.constant 1280 : i32
    %dma_start3A_1725 = tpu.memref_slice %arg7[%dma_start3A_1724] : memref<2048xf32, #tpu.memory_space<vmem>> -> memref<128xf32, #tpu.memory_space<vmem>>
    %dma_start3A_1726 = arith.constant 1280 : i32
    %dma_start3A_1727 = tpu.memref_slice %arg6[%dma_start3A_1726] : memref<2048xi32, #tpu.memory_space<vmem>> -> memref<128xi32, #tpu.memory_space<vmem>>
    %dma_start3A_1728 = arith.constant 0 : i32
    %dma_start3A_1729 = tpu.memref_slice %arg2[%dma_start3A_1728] : memref<6400000xf32, #tpu.memory_space<hbm>> -> memref<6400000xf32, #tpu.memory_space<hbm>>
    tpu.enqueue_indirect_dma source(%dma_start3A_1729 : memref<6400000xf32, #tpu.memory_space<hbm>>) target(%dma_start3A_1725 : memref<128xf32, #tpu.memory_space<vmem>>) offsets(%dma_start3A_1727 : memref<128xi32, #tpu.memory_space<vmem>>) semaphore(%arg8 : memref<!tpu.dma_semaphore, #tpu.memory_space<semaphore_mem>>)
    %dma_start3A_1730 = arith.constant 1408 : i32
    %dma_start3A_1731 = tpu.memref_slice %arg7[%dma_start3A_1730] : memref<2048xf32, #tpu.memory_space<vmem>> -> memref<128xf32, #tpu.memory_space<vmem>>
    %dma_start3A_1732 = arith.constant 1408 : i32
    %dma_start3A_1733 = tpu.memref_slice %arg6[%dma_start3A_1732] : memref<2048xi32, #tpu.memory_space<vmem>> -> memref<128xi32, #tpu.memory_space<vmem>>
    %dma_start3A_1734 = arith.constant 0 : i32
    %dma_start3A_1735 = tpu.memref_slice %arg2[%dma_start3A_1734] : memref<6400000xf32, #tpu.memory_space<hbm>> -> memref<6400000xf32, #tpu.memory_space<hbm>>
    tpu.enqueue_indirect_dma source(%dma_start3A_1735 : memref<6400000xf32, #tpu.memory_space<hbm>>) target(%dma_start3A_1731 : memref<128xf32, #tpu.memory_space<vmem>>) offsets(%dma_start3A_1733 : memref<128xi32, #tpu.memory_space<vmem>>) semaphore(%arg8 : memref<!tpu.dma_semaphore, #tpu.memory_space<semaphore_mem>>)
    %dma_start3A_1736 = arith.constant 1536 : i32
    %dma_start3A_1737 = tpu.memref_slice %arg7[%dma_start3A_1736] : memref<2048xf32, #tpu.memory_space<vmem>> -> memref<128xf32, #tpu.memory_space<vmem>>
    %dma_start3A_1738 = arith.constant 1536 : i32
    %dma_start3A_1739 = tpu.memref_slice %arg6[%dma_start3A_1738] : memref<2048xi32, #tpu.memory_space<vmem>> -> memref<128xi32, #tpu.memory_space<vmem>>
    %dma_start3A_1740 = arith.constant 0 : i32
    %dma_start3A_1741 = tpu.memref_slice %arg2[%dma_start3A_1740] : memref<6400000xf32, #tpu.memory_space<hbm>> -> memref<6400000xf32, #tpu.memory_space<hbm>>
    tpu.enqueue_indirect_dma source(%dma_start3A_1741 : memref<6400000xf32, #tpu.memory_space<hbm>>) target(%dma_start3A_1737 : memref<128xf32, #tpu.memory_space<vmem>>) offsets(%dma_start3A_1739 : memref<128xi32, #tpu.memory_space<vmem>>) semaphore(%arg8 : memref<!tpu.dma_semaphore, #tpu.memory_space<semaphore_mem>>)
    %dma_start3A_1742 = arith.constant 1664 : i32
    %dma_start3A_1743 = tpu.memref_slice %arg7[%dma_start3A_1742] : memref<2048xf32, #tpu.memory_space<vmem>> -> memref<128xf32, #tpu.memory_space<vmem>>
    %dma_start3A_1744 = arith.constant 1664 : i32
    %dma_start3A_1745 = tpu.memref_slice %arg6[%dma_start3A_1744] : memref<2048xi32, #tpu.memory_space<vmem>> -> memref<128xi32, #tpu.memory_space<vmem>>
    %dma_start3A_1746 = arith.constant 0 : i32
    %dma_start3A_1747 = tpu.memref_slice %arg2[%dma_start3A_1746] : memref<6400000xf32, #tpu.memory_space<hbm>> -> memref<6400000xf32, #tpu.memory_space<hbm>>
    tpu.enqueue_indirect_dma source(%dma_start3A_1747 : memref<6400000xf32, #tpu.memory_space<hbm>>) target(%dma_start3A_1743 : memref<128xf32, #tpu.memory_space<vmem>>) offsets(%dma_start3A_1745 : memref<128xi32, #tpu.memory_space<vmem>>) semaphore(%arg8 : memref<!tpu.dma_semaphore, #tpu.memory_space<semaphore_mem>>)
    %dma_start3A_1748 = arith.constant 1792 : i32
    %dma_start3A_1749 = tpu.memref_slice %arg7[%dma_start3A_1748] : memref<2048xf32, #tpu.memory_space<vmem>> -> memref<128xf32, #tpu.memory_space<vmem>>
    %dma_start3A_1750 = arith.constant 1792 : i32
    %dma_start3A_1751 = tpu.memref_slice %arg6[%dma_start3A_1750] : memref<2048xi32, #tpu.memory_space<vmem>> -> memref<128xi32, #tpu.memory_space<vmem>>
    %dma_start3A_1752 = arith.constant 0 : i32
    %dma_start3A_1753 = tpu.memref_slice %arg2[%dma_start3A_1752] : memref<6400000xf32, #tpu.memory_space<hbm>> -> memref<6400000xf32, #tpu.memory_space<hbm>>
    tpu.enqueue_indirect_dma source(%dma_start3A_1753 : memref<6400000xf32, #tpu.memory_space<hbm>>) target(%dma_start3A_1749 : memref<128xf32, #tpu.memory_space<vmem>>) offsets(%dma_start3A_1751 : memref<128xi32, #tpu.memory_space<vmem>>) semaphore(%arg8 : memref<!tpu.dma_semaphore, #tpu.memory_space<semaphore_mem>>)
    %dma_start3A_1754 = arith.constant 1920 : i32
    %dma_start3A_1755 = tpu.memref_slice %arg7[%dma_start3A_1754] : memref<2048xf32, #tpu.memory_space<vmem>> -> memref<128xf32, #tpu.memory_space<vmem>>
    %dma_start3A_1756 = arith.constant 1920 : i32
    %dma_start3A_1757 = tpu.memref_slice %arg6[%dma_start3A_1756] : memref<2048xi32, #tpu.memory_space<vmem>> -> memref<128xi32, #tpu.memory_space<vmem>>
    %dma_start3A_1758 = arith.constant 0 : i32
    %dma_start3A_1759 = tpu.memref_slice %arg2[%dma_start3A_1758] : memref<6400000xf32, #tpu.memory_space<hbm>> -> memref<6400000xf32, #tpu.memory_space<hbm>>
    tpu.enqueue_indirect_dma source(%dma_start3A_1759 : memref<6400000xf32, #tpu.memory_space<hbm>>) target(%dma_start3A_1755 : memref<128xf32, #tpu.memory_space<vmem>>) offsets(%dma_start3A_1757 : memref<128xi32, #tpu.memory_space<vmem>>) semaphore(%arg8 : memref<!tpu.dma_semaphore, #tpu.memory_space<semaphore_mem>>)
    %dma_wait3A = arith.constant 0 : i32
    %dma_wait3A_1760 = tpu.memref_slice %arg7[%dma_wait3A] : memref<2048xf32, #tpu.memory_space<vmem>> -> memref<128xf32, #tpu.memory_space<vmem>>
    %dma_wait3A_1761 = arith.constant 0 : i32
    %dma_wait3A_1762 = tpu.memref_slice %arg6[%dma_wait3A_1761] : memref<2048xi32, #tpu.memory_space<vmem>> -> memref<128xi32, #tpu.memory_space<vmem>>
    %dma_wait3A_1763 = arith.constant 0 : i32
    %dma_wait3A_1764 = tpu.memref_slice %arg2[%dma_wait3A_1763] : memref<6400000xf32, #tpu.memory_space<hbm>> -> memref<6400000xf32, #tpu.memory_space<hbm>>
    tpu.wait_indirect_dma semaphore(%arg8 : memref<!tpu.dma_semaphore, #tpu.memory_space<semaphore_mem>>) src(%dma_wait3A_1764 : memref<6400000xf32, #tpu.memory_space<hbm>>) dst(%dma_wait3A_1760 : memref<128xf32, #tpu.memory_space<vmem>>)
    %dma_wait3A_1765 = arith.constant 128 : i32
    %dma_wait3A_1766 = tpu.memref_slice %arg7[%dma_wait3A_1765] : memref<2048xf32, #tpu.memory_space<vmem>> -> memref<128xf32, #tpu.memory_space<vmem>>
    %dma_wait3A_1767 = arith.constant 128 : i32
    %dma_wait3A_1768 = tpu.memref_slice %arg6[%dma_wait3A_1767] : memref<2048xi32, #tpu.memory_space<vmem>> -> memref<128xi32, #tpu.memory_space<vmem>>
    %dma_wait3A_1769 = arith.constant 0 : i32
    %dma_wait3A_1770 = tpu.memref_slice %arg2[%dma_wait3A_1769] : memref<6400000xf32, #tpu.memory_space<hbm>> -> memref<6400000xf32, #tpu.memory_space<hbm>>
    tpu.wait_indirect_dma semaphore(%arg8 : memref<!tpu.dma_semaphore, #tpu.memory_space<semaphore_mem>>) src(%dma_wait3A_1770 : memref<6400000xf32, #tpu.memory_space<hbm>>) dst(%dma_wait3A_1766 : memref<128xf32, #tpu.memory_space<vmem>>)
    %dma_wait3A_1771 = arith.constant 256 : i32
    %dma_wait3A_1772 = tpu.memref_slice %arg7[%dma_wait3A_1771] : memref<2048xf32, #tpu.memory_space<vmem>> -> memref<128xf32, #tpu.memory_space<vmem>>
    %dma_wait3A_1773 = arith.constant 256 : i32
    %dma_wait3A_1774 = tpu.memref_slice %arg6[%dma_wait3A_1773] : memref<2048xi32, #tpu.memory_space<vmem>> -> memref<128xi32, #tpu.memory_space<vmem>>
    %dma_wait3A_1775 = arith.constant 0 : i32
    %dma_wait3A_1776 = tpu.memref_slice %arg2[%dma_wait3A_1775] : memref<6400000xf32, #tpu.memory_space<hbm>> -> memref<6400000xf32, #tpu.memory_space<hbm>>
    tpu.wait_indirect_dma semaphore(%arg8 : memref<!tpu.dma_semaphore, #tpu.memory_space<semaphore_mem>>) src(%dma_wait3A_1776 : memref<6400000xf32, #tpu.memory_space<hbm>>) dst(%dma_wait3A_1772 : memref<128xf32, #tpu.memory_space<vmem>>)
    %dma_wait3A_1777 = arith.constant 384 : i32
    %dma_wait3A_1778 = tpu.memref_slice %arg7[%dma_wait3A_1777] : memref<2048xf32, #tpu.memory_space<vmem>> -> memref<128xf32, #tpu.memory_space<vmem>>
    %dma_wait3A_1779 = arith.constant 384 : i32
    %dma_wait3A_1780 = tpu.memref_slice %arg6[%dma_wait3A_1779] : memref<2048xi32, #tpu.memory_space<vmem>> -> memref<128xi32, #tpu.memory_space<vmem>>
    %dma_wait3A_1781 = arith.constant 0 : i32
    %dma_wait3A_1782 = tpu.memref_slice %arg2[%dma_wait3A_1781] : memref<6400000xf32, #tpu.memory_space<hbm>> -> memref<6400000xf32, #tpu.memory_space<hbm>>
    tpu.wait_indirect_dma semaphore(%arg8 : memref<!tpu.dma_semaphore, #tpu.memory_space<semaphore_mem>>) src(%dma_wait3A_1782 : memref<6400000xf32, #tpu.memory_space<hbm>>) dst(%dma_wait3A_1778 : memref<128xf32, #tpu.memory_space<vmem>>)
    %dma_wait3A_1783 = arith.constant 512 : i32
    %dma_wait3A_1784 = tpu.memref_slice %arg7[%dma_wait3A_1783] : memref<2048xf32, #tpu.memory_space<vmem>> -> memref<128xf32, #tpu.memory_space<vmem>>
    %dma_wait3A_1785 = arith.constant 512 : i32
    %dma_wait3A_1786 = tpu.memref_slice %arg6[%dma_wait3A_1785] : memref<2048xi32, #tpu.memory_space<vmem>> -> memref<128xi32, #tpu.memory_space<vmem>>
    %dma_wait3A_1787 = arith.constant 0 : i32
    %dma_wait3A_1788 = tpu.memref_slice %arg2[%dma_wait3A_1787] : memref<6400000xf32, #tpu.memory_space<hbm>> -> memref<6400000xf32, #tpu.memory_space<hbm>>
    tpu.wait_indirect_dma semaphore(%arg8 : memref<!tpu.dma_semaphore, #tpu.memory_space<semaphore_mem>>) src(%dma_wait3A_1788 : memref<6400000xf32, #tpu.memory_space<hbm>>) dst(%dma_wait3A_1784 : memref<128xf32, #tpu.memory_space<vmem>>)
    %dma_wait3A_1789 = arith.constant 640 : i32
    %dma_wait3A_1790 = tpu.memref_slice %arg7[%dma_wait3A_1789] : memref<2048xf32, #tpu.memory_space<vmem>> -> memref<128xf32, #tpu.memory_space<vmem>>
    %dma_wait3A_1791 = arith.constant 640 : i32
    %dma_wait3A_1792 = tpu.memref_slice %arg6[%dma_wait3A_1791] : memref<2048xi32, #tpu.memory_space<vmem>> -> memref<128xi32, #tpu.memory_space<vmem>>
    %dma_wait3A_1793 = arith.constant 0 : i32
    %dma_wait3A_1794 = tpu.memref_slice %arg2[%dma_wait3A_1793] : memref<6400000xf32, #tpu.memory_space<hbm>> -> memref<6400000xf32, #tpu.memory_space<hbm>>
    tpu.wait_indirect_dma semaphore(%arg8 : memref<!tpu.dma_semaphore, #tpu.memory_space<semaphore_mem>>) src(%dma_wait3A_1794 : memref<6400000xf32, #tpu.memory_space<hbm>>) dst(%dma_wait3A_1790 : memref<128xf32, #tpu.memory_space<vmem>>)
    %dma_wait3A_1795 = arith.constant 768 : i32
    %dma_wait3A_1796 = tpu.memref_slice %arg7[%dma_wait3A_1795] : memref<2048xf32, #tpu.memory_space<vmem>> -> memref<128xf32, #tpu.memory_space<vmem>>
    %dma_wait3A_1797 = arith.constant 768 : i32
    %dma_wait3A_1798 = tpu.memref_slice %arg6[%dma_wait3A_1797] : memref<2048xi32, #tpu.memory_space<vmem>> -> memref<128xi32, #tpu.memory_space<vmem>>
    %dma_wait3A_1799 = arith.constant 0 : i32
    %dma_wait3A_1800 = tpu.memref_slice %arg2[%dma_wait3A_1799] : memref<6400000xf32, #tpu.memory_space<hbm>> -> memref<6400000xf32, #tpu.memory_space<hbm>>
    tpu.wait_indirect_dma semaphore(%arg8 : memref<!tpu.dma_semaphore, #tpu.memory_space<semaphore_mem>>) src(%dma_wait3A_1800 : memref<6400000xf32, #tpu.memory_space<hbm>>) dst(%dma_wait3A_1796 : memref<128xf32, #tpu.memory_space<vmem>>)
    %dma_wait3A_1801 = arith.constant 896 : i32
    %dma_wait3A_1802 = tpu.memref_slice %arg7[%dma_wait3A_1801] : memref<2048xf32, #tpu.memory_space<vmem>> -> memref<128xf32, #tpu.memory_space<vmem>>
    %dma_wait3A_1803 = arith.constant 896 : i32
    %dma_wait3A_1804 = tpu.memref_slice %arg6[%dma_wait3A_1803] : memref<2048xi32, #tpu.memory_space<vmem>> -> memref<128xi32, #tpu.memory_space<vmem>>
    %dma_wait3A_1805 = arith.constant 0 : i32
    %dma_wait3A_1806 = tpu.memref_slice %arg2[%dma_wait3A_1805] : memref<6400000xf32, #tpu.memory_space<hbm>> -> memref<6400000xf32, #tpu.memory_space<hbm>>
    tpu.wait_indirect_dma semaphore(%arg8 : memref<!tpu.dma_semaphore, #tpu.memory_space<semaphore_mem>>) src(%dma_wait3A_1806 : memref<6400000xf32, #tpu.memory_space<hbm>>) dst(%dma_wait3A_1802 : memref<128xf32, #tpu.memory_space<vmem>>)
    %dma_wait3A_1807 = arith.constant 1024 : i32
    %dma_wait3A_1808 = tpu.memref_slice %arg7[%dma_wait3A_1807] : memref<2048xf32, #tpu.memory_space<vmem>> -> memref<128xf32, #tpu.memory_space<vmem>>
    %dma_wait3A_1809 = arith.constant 1024 : i32
    %dma_wait3A_1810 = tpu.memref_slice %arg6[%dma_wait3A_1809] : memref<2048xi32, #tpu.memory_space<vmem>> -> memref<128xi32, #tpu.memory_space<vmem>>
    %dma_wait3A_1811 = arith.constant 0 : i32
    %dma_wait3A_1812 = tpu.memref_slice %arg2[%dma_wait3A_1811] : memref<6400000xf32, #tpu.memory_space<hbm>> -> memref<6400000xf32, #tpu.memory_space<hbm>>
    tpu.wait_indirect_dma semaphore(%arg8 : memref<!tpu.dma_semaphore, #tpu.memory_space<semaphore_mem>>) src(%dma_wait3A_1812 : memref<6400000xf32, #tpu.memory_space<hbm>>) dst(%dma_wait3A_1808 : memref<128xf32, #tpu.memory_space<vmem>>)
    %dma_wait3A_1813 = arith.constant 1152 : i32
    %dma_wait3A_1814 = tpu.memref_slice %arg7[%dma_wait3A_1813] : memref<2048xf32, #tpu.memory_space<vmem>> -> memref<128xf32, #tpu.memory_space<vmem>>
    %dma_wait3A_1815 = arith.constant 1152 : i32
    %dma_wait3A_1816 = tpu.memref_slice %arg6[%dma_wait3A_1815] : memref<2048xi32, #tpu.memory_space<vmem>> -> memref<128xi32, #tpu.memory_space<vmem>>
    %dma_wait3A_1817 = arith.constant 0 : i32
    %dma_wait3A_1818 = tpu.memref_slice %arg2[%dma_wait3A_1817] : memref<6400000xf32, #tpu.memory_space<hbm>> -> memref<6400000xf32, #tpu.memory_space<hbm>>
    tpu.wait_indirect_dma semaphore(%arg8 : memref<!tpu.dma_semaphore, #tpu.memory_space<semaphore_mem>>) src(%dma_wait3A_1818 : memref<6400000xf32, #tpu.memory_space<hbm>>) dst(%dma_wait3A_1814 : memref<128xf32, #tpu.memory_space<vmem>>)
    %dma_wait3A_1819 = arith.constant 1280 : i32
    %dma_wait3A_1820 = tpu.memref_slice %arg7[%dma_wait3A_1819] : memref<2048xf32, #tpu.memory_space<vmem>> -> memref<128xf32, #tpu.memory_space<vmem>>
    %dma_wait3A_1821 = arith.constant 1280 : i32
    %dma_wait3A_1822 = tpu.memref_slice %arg6[%dma_wait3A_1821] : memref<2048xi32, #tpu.memory_space<vmem>> -> memref<128xi32, #tpu.memory_space<vmem>>
    %dma_wait3A_1823 = arith.constant 0 : i32
    %dma_wait3A_1824 = tpu.memref_slice %arg2[%dma_wait3A_1823] : memref<6400000xf32, #tpu.memory_space<hbm>> -> memref<6400000xf32, #tpu.memory_space<hbm>>
    tpu.wait_indirect_dma semaphore(%arg8 : memref<!tpu.dma_semaphore, #tpu.memory_space<semaphore_mem>>) src(%dma_wait3A_1824 : memref<6400000xf32, #tpu.memory_space<hbm>>) dst(%dma_wait3A_1820 : memref<128xf32, #tpu.memory_space<vmem>>)
    %dma_wait3A_1825 = arith.constant 1408 : i32
    %dma_wait3A_1826 = tpu.memref_slice %arg7[%dma_wait3A_1825] : memref<2048xf32, #tpu.memory_space<vmem>> -> memref<128xf32, #tpu.memory_space<vmem>>
    %dma_wait3A_1827 = arith.constant 1408 : i32
    %dma_wait3A_1828 = tpu.memref_slice %arg6[%dma_wait3A_1827] : memref<2048xi32, #tpu.memory_space<vmem>> -> memref<128xi32, #tpu.memory_space<vmem>>
    %dma_wait3A_1829 = arith.constant 0 : i32
    %dma_wait3A_1830 = tpu.memref_slice %arg2[%dma_wait3A_1829] : memref<6400000xf32, #tpu.memory_space<hbm>> -> memref<6400000xf32, #tpu.memory_space<hbm>>
    tpu.wait_indirect_dma semaphore(%arg8 : memref<!tpu.dma_semaphore, #tpu.memory_space<semaphore_mem>>) src(%dma_wait3A_1830 : memref<6400000xf32, #tpu.memory_space<hbm>>) dst(%dma_wait3A_1826 : memref<128xf32, #tpu.memory_space<vmem>>)
    %dma_wait3A_1831 = arith.constant 1536 : i32
    %dma_wait3A_1832 = tpu.memref_slice %arg7[%dma_wait3A_1831] : memref<2048xf32, #tpu.memory_space<vmem>> -> memref<128xf32, #tpu.memory_space<vmem>>
    %dma_wait3A_1833 = arith.constant 1536 : i32
    %dma_wait3A_1834 = tpu.memref_slice %arg6[%dma_wait3A_1833] : memref<2048xi32, #tpu.memory_space<vmem>> -> memref<128xi32, #tpu.memory_space<vmem>>
    %dma_wait3A_1835 = arith.constant 0 : i32
    %dma_wait3A_1836 = tpu.memref_slice %arg2[%dma_wait3A_1835] : memref<6400000xf32, #tpu.memory_space<hbm>> -> memref<6400000xf32, #tpu.memory_space<hbm>>
    tpu.wait_indirect_dma semaphore(%arg8 : memref<!tpu.dma_semaphore, #tpu.memory_space<semaphore_mem>>) src(%dma_wait3A_1836 : memref<6400000xf32, #tpu.memory_space<hbm>>) dst(%dma_wait3A_1832 : memref<128xf32, #tpu.memory_space<vmem>>)
    %dma_wait3A_1837 = arith.constant 1664 : i32
    %dma_wait3A_1838 = tpu.memref_slice %arg7[%dma_wait3A_1837] : memref<2048xf32, #tpu.memory_space<vmem>> -> memref<128xf32, #tpu.memory_space<vmem>>
    %dma_wait3A_1839 = arith.constant 1664 : i32
    %dma_wait3A_1840 = tpu.memref_slice %arg6[%dma_wait3A_1839] : memref<2048xi32, #tpu.memory_space<vmem>> -> memref<128xi32, #tpu.memory_space<vmem>>
    %dma_wait3A_1841 = arith.constant 0 : i32
    %dma_wait3A_1842 = tpu.memref_slice %arg2[%dma_wait3A_1841] : memref<6400000xf32, #tpu.memory_space<hbm>> -> memref<6400000xf32, #tpu.memory_space<hbm>>
    tpu.wait_indirect_dma semaphore(%arg8 : memref<!tpu.dma_semaphore, #tpu.memory_space<semaphore_mem>>) src(%dma_wait3A_1842 : memref<6400000xf32, #tpu.memory_space<hbm>>) dst(%dma_wait3A_1838 : memref<128xf32, #tpu.memory_space<vmem>>)
    %dma_wait3A_1843 = arith.constant 1792 : i32
    %dma_wait3A_1844 = tpu.memref_slice %arg7[%dma_wait3A_1843] : memref<2048xf32, #tpu.memory_space<vmem>> -> memref<128xf32, #tpu.memory_space<vmem>>
    %dma_wait3A_1845 = arith.constant 1792 : i32
    %dma_wait3A_1846 = tpu.memref_slice %arg6[%dma_wait3A_1845] : memref<2048xi32, #tpu.memory_space<vmem>> -> memref<128xi32, #tpu.memory_space<vmem>>
    %dma_wait3A_1847 = arith.constant 0 : i32
    %dma_wait3A_1848 = tpu.memref_slice %arg2[%dma_wait3A_1847] : memref<6400000xf32, #tpu.memory_space<hbm>> -> memref<6400000xf32, #tpu.memory_space<hbm>>
    tpu.wait_indirect_dma semaphore(%arg8 : memref<!tpu.dma_semaphore, #tpu.memory_space<semaphore_mem>>) src(%dma_wait3A_1848 : memref<6400000xf32, #tpu.memory_space<hbm>>) dst(%dma_wait3A_1844 : memref<128xf32, #tpu.memory_space<vmem>>)
    %dma_wait3A_1849 = arith.constant 1920 : i32
    %dma_wait3A_1850 = tpu.memref_slice %arg7[%dma_wait3A_1849] : memref<2048xf32, #tpu.memory_space<vmem>> -> memref<128xf32, #tpu.memory_space<vmem>>
    %dma_wait3A_1851 = arith.constant 1920 : i32
    %dma_wait3A_1852 = tpu.memref_slice %arg6[%dma_wait3A_1851] : memref<2048xi32, #tpu.memory_space<vmem>> -> memref<128xi32, #tpu.memory_space<vmem>>
    %dma_wait3A_1853 = arith.constant 0 : i32
    %dma_wait3A_1854 = tpu.memref_slice %arg2[%dma_wait3A_1853] : memref<6400000xf32, #tpu.memory_space<hbm>> -> memref<6400000xf32, #tpu.memory_space<hbm>>
    tpu.wait_indirect_dma semaphore(%arg8 : memref<!tpu.dma_semaphore, #tpu.memory_space<semaphore_mem>>) src(%dma_wait3A_1854 : memref<6400000xf32, #tpu.memory_space<hbm>>) dst(%dma_wait3A_1850 : memref<128xf32, #tpu.memory_space<vmem>>)
    %mul3A_1855 = arith.constant 2048 : i32
    %mul3A_1856 = arith.muli %add3A, %mul3A_1855 : i32
    "tpu.region"() ({
      %run_scoped3A = tpu.sem_alloc : memref<!tpu.dma_semaphore, #tpu.memory_space<semaphore_mem>>
      %dma_start3A_1857 = tpu.memref_slice %arg4[%mul3A_1856] : memref<65536xf32, #tpu.memory_space<hbm>> -> memref<2048xf32, #tpu.memory_space<hbm>>
      %dma_start3A_1858 = tpu.memref_slice %arg4[%mul3A_1856] : memref<65536xf32, #tpu.memory_space<hbm>> -> memref<2048xf32, #tpu.memory_space<hbm>>
      tpu.enqueue_dma source(%arg7 : memref<2048xf32, #tpu.memory_space<vmem>>) target(%dma_start3A_1858 : memref<2048xf32, #tpu.memory_space<hbm>>) target_semaphore(%run_scoped3A : memref<!tpu.dma_semaphore, #tpu.memory_space<semaphore_mem>>)
      %dma_wait3A_1859 = tpu.memref_slice %arg4[%mul3A_1856] : memref<65536xf32, #tpu.memory_space<hbm>> -> memref<2048xf32, #tpu.memory_space<hbm>>
      %dma_wait3A_1860 = tpu.memref_slice %arg4[%mul3A_1856] : memref<65536xf32, #tpu.memory_space<hbm>> -> memref<2048xf32, #tpu.memory_space<hbm>>
      tpu.wait_dma2 semaphore(%run_scoped3A : memref<!tpu.dma_semaphore, #tpu.memory_space<semaphore_mem>>) src(%arg7 : memref<2048xf32, #tpu.memory_space<vmem>>) dst(%dma_wait3A_1860 : memref<2048xf32, #tpu.memory_space<hbm>>)
      tpu.yield
    }) : () -> ()
    return
  }
}

module attributes {stable_mosaic.version = 14 : i64} {
  func.func @_matmul_body(%arg0: i32, %arg1: memref<64x3200xf32, #tpu.memory_space<vmem>>, %arg2: memref<64x1024xf32, #tpu.memory_space<vmem>>, %arg3: memref<1x3200xf32, #tpu.memory_space<vmem>>, %arg4: memref<3200x1024xf32, #tpu.memory_space<vmem>>) attributes {dimension_semantics = [#tpu.dimension_semantics<arbitrary>], iteration_bounds = array<i64: 32>, scalar_prefetch = 0 : i64, scratch_operands = 0 : i64, tpu.core_type = #tpu.core_type<tc>, window_params = [{transform_indices = @transform_0, window_bounds = array<i64: 64, 3200>}, {pipeline_mode = #tpu.pipeline_mode<synchronous>, transform_indices = @transform_1, window_bounds = array<i64: 64, 1024>}, {transform_indices = @transform_2, window_bounds = array<i64: 1, 3200>}, {transform_indices = @transform_3, window_bounds = array<i64: 3200, 1024>}]} {
    %get3A = arith.constant 0 : index
    %get3A_0 = arith.constant 0 : index
    %get3A_1 = vector.load %arg1[%get3A, %get3A_0] : memref<64x3200xf32, #tpu.memory_space<vmem>>, vector<64x3200xf32>
    %get3A_2 = arith.constant 0 : index
    %get3A_3 = arith.constant 0 : index
    %get3A_4 = vector.load %arg2[%get3A_2, %get3A_3] : memref<64x1024xf32, #tpu.memory_space<vmem>>, vector<64x1024xf32>
    %dot_general3A = arith.constant dense<0.000000e+00> : vector<3200x1024xf32>
    %dot_general3A_5 = tpu.matmul %get3A_1, %get3A_4, %dot_general3A {dimension_numbers = #tpu.dot_dimension_numbers<[0], [0], [1], [1], [0, 1, 1, 1], [], []>, transpose_lhs_hint = false} : vector<64x3200xf32>, vector<64x1024xf32>, vector<3200x1024xf32> -> vector<3200x1024xf32>
    %get3A_6 = arith.constant 0 : index
    %get3A_7 = arith.constant 0 : index
    %get3A_8 = vector.load %arg3[%get3A_6, %get3A_7] : memref<1x3200xf32, #tpu.memory_space<vmem>>, vector<1x3200xf32>
    %transpose3A = tpu.transpose %get3A_8, [1, 0] : vector<1x3200xf32> -> vector<3200x1xf32>
    %add3A = vector.broadcast %transpose3A : vector<3200x1xf32> to vector<3200x1024xf32>
    %add3A_9 = arith.addf %dot_general3A_5, %add3A : vector<3200x1024xf32>
    %swap3A = arith.constant 0 : index
    %swap3A_10 = arith.constant 0 : index
    %swap3A_11 = vector.load %arg4[%swap3A, %swap3A_10] : memref<3200x1024xf32, #tpu.memory_space<vmem>>, vector<3200x1024xf32>
    tpu.vector_store %arg4[%swap3A, %swap3A_10], %add3A_9 {strides = array<i32>} : memref<3200x1024xf32, #tpu.memory_space<vmem>>, vector<3200x1024xf32>,
    return
  }
  func.func @transform_0(%arg0: i32) -> (i32, i32) {
    %c0_i32 = arith.constant 0 : i32
    %c0_i32_0 = arith.constant 0 : i32
    return %c0_i32, %arg0 : i32, i32
  }
  func.func @transform_1(%arg0: i32) -> (i32, i32) {
    %c0_i32 = arith.constant 0 : i32
    %c0_i32_0 = arith.constant 0 : i32
    %c0_i32_1 = arith.constant 0 : i32
    return %c0_i32, %c0_i32_0 : i32, i32
  }
  func.func @transform_2(%arg0: i32) -> (i32, i32) {
    %c0_i32 = arith.constant 0 : i32
    %c0_i32_0 = arith.constant 0 : i32
    return %c0_i32, %arg0 : i32, i32
  }
  func.func @transform_3(%arg0: i32) -> (i32, i32) {
    %c0_i32 = arith.constant 0 : i32
    %c0_i32_0 = arith.constant 0 : i32
    return %arg0, %c0_i32 : i32, i32
  }
}

</mosaic_0001>

<sc_bundles>
// kernel: kernel.4.cloned.1.call-start
scs
__scs_entry_jumppad:
0x0: {  	(pc) =	sbr.rel $0x88, $3  }
0x1: {  	(tag) =	ssettag $0x0;
	lr =	simm.s32 $0x1  }
0x2: {  	[smem:$0x3F9D] =	sst lr;
	_ =	strace $0xD0000000  }
0x3: {  	_ = 	snop  }
0x4: {  	_ = 	snop  }
0x5: {  	_ = 	snop  }
0x6: {  	_ = 	snop  }
0x7: {  	_ = 	snop  }
__scs_overlays_trampoline_lowered:
0x8: {  	[smem:$0x3FAC] =	sst s0  }
0x9: {  	[smem:$0x3FAD] =	sst s1  }
0xa: {  	[smem:$0x3FAE] =	sst s2  }
0xb: {  	[smem:$0x3FAF] =	sst s3  }
0xc: {  	[smem:$0x3FB0] =	sst s4  }
0xd: {  	[smem:$0x3FB1] =	sst s5  }
0xe: {  	[smem:$0x3FB2] =	sst s6  }
0xf: {  	[smem:$0x3FB3] =	sst s7  }
0x10: {  	[smem:$0x3FB4] =	sst s8  }
0x11: {  	[smem:$0x3FB5] =	sst s9;
	s0 =	simm.s32 @!p0 $0x0  }
0x12: {  	s1 =	sld [smem:$0x3F9B];
	s0 =	simm.s32 @p0 $0x1  }
0x13: {  	[smem:$0x3FB6] =	sst s0;
	s0 =	simm.s32 @!p1 $0x0  }
0x14: {  	s2 =	sld [smem:$0x3F9A];
	s0 =	simm.s32 @p1 $0x1  }
0x15: {  	[smem:$0x3FB7] =	sst s0;
	s0 =	simm.s32 @!p2 $0x0  }
0x16: {  	s3 =	sld [smem:$0x3FDB];
	s0 =	simm.s32 @p2 $0x1  }
0x17: {  	s4 =	simm.s32 $0x1BF5;
	[smem:$0x3FB9] =	sst s0  }
0x18: {  	s0 =	sld [smem:$0x3F9C];
	_ =	swait.ge [sflag:s4], $0x0  }
0x19: {  	s7 =	sld [smem:$0x3F9D]  }
0x1a: {  	s8 =	sadd.s32 $0xFFFFE003, lr  }
0x1b: {  	s9 =	sadd.s32 $0xFFFFFEF7, lr;
	s5 =	simm.s32 $0xFFFFFFFF;
	p2 =	slt.u32 s8, $0xFFFFF086  }
0x1c: {  	p1 =	slt.u32 s9, $0xF7A;
	s5 =	simm.s32 @!p2 $0x0  }
0x1d: {  	s5 =	simm.s32 @p1 $0x1;
	p0 =	seq.s32 s7, s2  }
0x1e: {  	s7 =	smul.u32 @!p0 $0xF7A, s2;
	p2 =	seq.s32 @!p0 s5, $0x0  }
0x1f: {  	s9 =	smul.u32 $0xF7A, s1;
	s8 =	simm.s32 @!p0 $0x1BF5;
	p2 =	por !p2, p0  }
0x20: {  	[sflag:s8] =	ssyncset.s32 @!p0 $0xFFFFF086;
	s6 =	sadd.s32 @!p0 s3, s7;
	s7 =	simm.s32 @!p0 $0x108  }
0x21: {  	s3 =	sadd.s32 s3, s9;
	s6 =	sadd.s32 @!p0 $0x88, s6;
	s7 =	simm.s32 @p2 $0x1082  }
0x22: {  	[simem:s7], [sflag:s8] =	dma.local @!p0 [hbm:s6], $0xF7A  }
0x23: {  	s9 =	sor.u32 $0xD0000000, s2;
	s6 =	simm.s32 $0x108;
	_ =	swait.ge @!p0 [sflag:s8], $0x0  }
0x24: {  	s3 =	sadd.s32 $0x88, s3;
	s6 =	simm.s32 @!p1 $0x1082;
	[sflag:s4] =	ssyncset.s32 $0xFFFFF086  }
0x25: {  	[simem:s6], [sflag:s4] =	dma.local [hbm:s3], $0xF7A  }
0x26: {  	[smem:$0x3F9D] =	sst s1;
	(tag) =	ssettag s2;
	_ =	strace s9  }
0x27: {  	s1 =	sld [smem:$0x3FAD]  }
0x28: {  	s2 =	sld [smem:$0x3FAE]  }
0x29: {  	s4 =	sld [smem:$0x3FB0]  }
0x2a: {  	p0 =	seq.s32 s5, $0x0;
	s5 =	sld [smem:$0x3FB1]  }
0x2b: {  	s6 =	sld [smem:$0x3FB2]  }
0x2c: {  	s7 =	sld [smem:$0x3FB3]  }
0x2d: {  	s3 =	simm.s32 $0x108;
	s8 =	sld [smem:$0x3FB4]  }
0x2e: {  	s3 =	simm.s32 @!p0 $0x1082;
	s9 =	sld [smem:$0x3FB5]  }
0x2f: {  	lr =	sadd.s32 s0, s3;
	s0 =	sld [smem:$0x3FAC]  }
0x30: {  	s3 =	sld [smem:$0x3FAF]  }
0x31: {  	[smem:$0x3FB8] =	sst s10  }
0x32: {  	s10 =	sld [smem:$0x3FB6];
	_ =	sdelay $0x3  }
0x33: {  	p0 =	seq.s32 s10, $0x1;
	s10 =	sld [smem:$0x3FB8];
	_ =	sdelay $0x3  }
0x34: {  	[smem:$0x3FB8] =	sst s10  }
0x35: {  	s10 =	sld [smem:$0x3FB7];
	_ =	sdelay $0x3  }
0x36: {  	p1 =	seq.s32 s10, $0x1;
	s10 =	sld [smem:$0x3FB8];
	_ =	sdelay $0x3  }
0x37: {  	[smem:$0x3FB8] =	sst s10  }
0x38: {  	s10 =	sld [smem:$0x3FB9]  }
0x39: {  	_ = 	snop;
	(pc) =	sbr.ind lr, $3  }
0x3a: {  	_ = 	snop  }
0x3b: {  	_ = 	snop  }
0x3c: {  	p2 =	seq.s32 s10, $0x1;
	s10 =	sld [smem:$0x3FB8]  }
0x3d: {  	_ =	shalt  }
0x3e: {  	_ =	shalt  }
0x3f: {  	_ =	shalt  }
0x40: {  	_ =	shalt  }
0x41: {  	_ =	shalt  }
0x42: {  	_ =	shalt  }
0x43: {  	_ =	shalt  }
0x44: {  	_ =	shalt  }
0x45: {  	_ =	shalt  }
0x46: {  	_ =	shalt  }
0x47: {  	_ =	shalt  }
0x48: {  	_ =	shalt  }
0x49: {  	_ =	shalt  }
0x4a: {  	_ =	shalt  }
0x4b: {  	_ =	shalt  }
0x4c: {  	_ =	shalt  }
0x4d: {  	_ =	shalt  }
0x4e: {  	_ =	shalt  }
0x4f: {  	_ =	shalt  }
0x50: {  	_ =	shalt  }
0x51: {  	_ =	shalt  }
0x52: {  	_ =	shalt  }
0x53: {  	_ =	shalt  }
0x54: {  	_ =	shalt  }
0x55: {  	_ =	shalt  }
0x56: {  	_ =	shalt  }
0x57: {  	_ =	shalt  }
0x58: {  	_ =	shalt  }
0x59: {  	_ =	shalt  }
0x5a: {  	_ =	shalt  }
0x5b: {  	_ =	shalt  }
0x5c: {  	_ =	shalt  }
0x5d: {  	_ =	shalt  }
0x5e: {  	_ =	shalt  }
0x5f: {  	_ =	shalt  }
0x60: {  	_ =	shalt  }
0x61: {  	_ =	shalt  }
0x62: {  	_ =	shalt  }
0x63: {  	_ =	shalt  }
0x64: {  	_ =	shalt  }
0x65: {  	_ =	shalt  }
0x66: {  	_ =	shalt  }
0x67: {  	_ =	shalt  }
0x68: {  	_ =	shalt  }
0x69: {  	_ =	shalt  }
0x6a: {  	_ =	shalt  }
0x6b: {  	_ =	shalt  }
0x6c: {  	_ =	shalt  }
0x6d: {  	_ =	shalt  }
0x6e: {  	_ =	shalt  }
0x6f: {  	_ =	shalt  }
0x70: {  	_ =	shalt  }
0x71: {  	_ =	shalt  }
0x72: {  	_ =	shalt  }
0x73: {  	_ =	shalt  }
0x74: {  	_ =	shalt  }
0x75: {  	_ =	shalt  }
0x76: {  	_ =	shalt  }
0x77: {  	_ =	shalt  }
0x78: {  	_ =	shalt  }
0x79: {  	_ =	shalt  }
0x7a: {  	_ =	shalt  }
0x7b: {  	_ =	shalt  }
0x7c: {  	_ =	shalt  }
0x7d: {  	_ =	shalt  }
0x7e: {  	_ =	shalt  }
0x7f: {  	_ =	shalt  }
0x80: {  	_ =	shalt  }
0x81: {  	_ =	shalt  }
0x82: {  	_ =	shalt  }
0x83: {  	_ =	shalt  }
0x84: {  	_ =	shalt  }
0x85: {  	_ =	shalt  }
0x86: {  	_ =	shalt  }
0x87: {  	_ =	shalt  }
.Lfunc_end0:
.L_simem_size_0:
called_computation_lowered:
.L_overlay_start_0:
0x88: {  	s2 =	sld [smem:$0x3FD9]  }
0x89: {  	s3 =	sld [smem:$0x3FFE];
	_ =	sdelay $0x1  }
0x8a: {  	s1 =	srdreg.scid  }
0x8b: {  	s0 =	sand.u32 $0x1, s1  }
0x8c: {  	s17 =	sshll.u32 s0, $0xA;
	s2 =	sadd.s32 s3, s2  }
0x8d: {  	s2 =	sadd.s32 s2, s17  }
0x8e: {  	[smem:$0x3FC4] =	sst s2  }
0x8f: {  	_ = 	snop  }
0x90: {  	s2 =	sld [smem:$0x3FC9]  }
0x91: {  	s18 =	sld [smem:$0x3FD0];
	(tm) =	ssettm $0x1  }
0x92: {  	s4 =	sld [smem:$0x3FFB];
	_ =	sdelay $0x3  }
0x93: {  	_ =	strace s4  }
0x94: {  	s4 =	sld [smem:$0x3FFC];
	_ =	sdelay $0x3  }
0x95: {  	_ =	strace s4  }
0x96: {  	s4 =	sld [smem:$0x3FFD];
	_ =	sdelay $0x3  }
0x97: {  	_ =	strace s4  }
0x98: {  	_ =	strace $0x8FFFFFFF  }
0x99: {  	s19 =	sld [smem:$0x3FDB];
	_ =	sdelay $0x1  }
0x9a: {  	s5 =	simm.s32 $_scs_section_size  }
0x9b: {  	s6 =	simm.s32 $_size__tile_overlayer_lowered;
	s7 =	simm.s32 $_tile_overlayer_lowered  }
0x9c: {  	s22 =	simm.s32 $0x1BFF;
	s21 =	sshll.u32 s7, $0x1;
	s4 =	sadd.s32 s5, s19  }
0x9d: {  	s8 =	simm.s32 $0x0;
	s20 =	sshll.u32 s6, $0x1;
	s6 =	sadd.s32 s21, s4  }
0x9e: {  	[timem:s8], [sflag:s22] =	dma.local [hbm:s6], s20  }
0x9f: {  	_ =	swait.ge [sflag:s22], s20  }
0xa0: {  	s5 =	ssub.s32 $0x0, s20;
	[sflag:s22] =	ssyncset.done $0x0  }
0xa1: {  	[sflag:s22] =	ssyncadd.s32 s5;
	_ =	sdelay $0x1  }
0xa2: {  	s23 =	simm.s32 $0x1B8B  }
0xa3: {  	_ =	swait.ge [sflag:s23], $0x1  }
0xa4: {  	[sflag:s23] =	ssyncset.done $0x0  }
0xa5: {  	s25 =	simm.s32 $0x1B8E;
	s24 =	sld [smem:$0x3FFE];
	[sflag:s23] =	ssyncadd.s32 $0xFFFFFFFF  }
0xa6: {  	s26 =	simm.s32 $execute0_lowered;
	[smem:$0x3FD2] =	sst s25  }
0xa7: {  	s6 =	sshll.u32 s26, $0x1;
	_ =	strace $0x80000046;
	[dreg:$0x1] =	wrdreg $0xFFFFFFFF  }
0xa8: {  	s28 =	simm.s32 $_size_execute0_lowered;
	s4 =	sadd.s32 s4, s6;
	[dreg:$0x0] =	wrdreg $0x0  }
0xa9: {  	s6 =	sshll.u32 s28, $0x1;
	[dreg:$0x2] =	wrdreg s4  }
0xaa: {  	[dreg:$0x3] =	wrdreg s6  }
0xab: {  	[dreg:$0x4] =	wrdreg $0xC0  }
0xac: {  	_ =	task [dreg:s8], $0x5FFFF  }
0xad: {  	[dreg:$0x1] =	wrdreg $0xFFFFFFFF  }
0xae: {  	[dreg:$0x0] =	wrdreg $0x60  }
0xaf: {  	[dreg:$0x2] =	wrdreg s18  }
0xb0: {  	[dreg:$0x3] =	wrdreg s2  }
0xb1: {  	[dreg:$0x4] =	wrdreg s24  }
0xb2: {  	[dreg:$0x5] =	wrdreg $0x9  }
0xb3: {  	_ =	task.clear_ibuf [dreg:s8], $0x6FFFF;
	_ =	strace $0x90000046  }
0xb4: {  	s29 =	simm.s32 $0x9;
	_ =	strace $0x80000048  }
0xb5: {  	_ =	swait.ge [sflag:s29], $0x1  }
0xb6: {  	[sflag:s29] =	ssyncadd.s32 $0xFFFFFFFF  }
0xb7: {  	_ =	strace $0x90000048  }
0xb8: {  	_ =	sfence  }
0xb9: {  	s30 =	sld [smem:$0x0];
	_ =	sdelay $0x2  }
0xba: {  	s31 =	sshll.u32 s1, $0xD;
	s1 =	sshrl.u32 s1, $0x2  }
0xbb: {  	s3 =	sand.u32 $0x4000, s31;
	s1 =	sadd.s32 s1, s30  }
0xbc: {  	s0 =	sor.u32 s3, s0;
	s1 =	sshll.u32 s1, $0x11  }
0xbd: {  	s0 =	sor.u32 s1, s0  }
0xbe: {  	s0 =	sadd.s32 $0x8F2B, s0  }
0xbf: {  	[sflag:s0] =	ssyncadd.remote.s32 $0x1  }
0xc0: {  	_ =	sfence.sel $0xFFFF  }
0xc1: {  	[dreg:$0x0] =	wrdreg $0xFFFFFFFF;
	(pc) =	sbr.abs _section_cstart, $3  }
0xc2: {  	[dreg:$0x1] =	wrdreg $0xFFFFFFFF  }
0xc3: {  	_ =	task.clear_ibuf [dreg:s8], $0x2FFFF;
	_ =	strace $0x9FFFFFFF  }
0xc4: {  	(tm) =	ssettm $0x7FFFFFFF  }
0xc5: {  	_ =	shalt  }
tec
execute0_lowered:
.L_overlay_start_1:
0x0: {  	(tag) =	ssettag $0x1  }
0x1: {  	s1 =	rddreg [dreg:$0x0]  }
0x2: {  	s2 =	rddreg [dreg:$0x1];
	s3 =	srdreg.scid  }
0x3: {  	s0 =	stileid.u32;
	s4 =	rddreg [dreg:$0x2]  }
0x4: {  	s18 =	simm.s32 $0x400;
	s19 =	simm.s32 $0x480;
	s21 =	simm.s32 $0xC80  }
0x5: {  	s22 =	simm.s32 $0x500;
	s23 =	simm.s32 $0xD00;
	s24 =	simm.s32 $0x580  }
0x6: {  	s25 =	simm.s32 $0xD80;
	s26 =	simm.s32 $0x600;
	s7 =	simm.s32 $0xC00  }
0x7: {  	[dreg:$0x4] =	wrdreg s2;
	s16 =	sand.u32 $0x1, s3;
	s3 =	simm.s32 $0x0  }
0x8: {  	s11 =	simm.s32 $0x700;
	s12 =	simm.s32 $0xF00;
	[smem:$0x7FF] =	sst s3  }
0x9: {  	s13 =	simm.s32 $0x780;
	_ =	strace $0x80000047;
	[dreg:$0x6] =	wrdreg s18  }
0xa: {  	s14 =	simm.s32 $0xF80;
	s15 =	simm.s32 $0x800;
	[dreg:$0x7] =	wrdreg s19  }
0xb: {  	s28 =	simm.s32 $0xB00;
	s17 =	sshll.u32 s0, $0x1;
	[dreg:$0x8] =	wrdreg s21  }
0xc: {  	s29 =	simm.s32 $0x1300;
	s5 =	sor.u32 s16, s17;
	[dreg:$0x9] =	wrdreg s22  }
0xd: {  	s2 =	ssub.s32 $0x2, s16;
	s16 =	simm.s32 $0x1000;
	[dreg:$0xa] =	wrdreg s23  }
0xe: {  	s17 =	simm.s32 $0x880;
	s6 =	sshll.u32 s5, $0x8;
	[dreg:$0xb] =	wrdreg s24  }
0xf: {  	s20 =	sshrl.u32 s2, $0x1;
	s30 =	smul.u32 $0x30D40, s5;
	[dreg:$0xc] =	wrdreg s25  }
0x10: {  	s5 =	simm.s32 $0x2;
	[dreg:$0xd] =	wrdreg s26;
	s18 =	simm.s32 $0x1080  }
0x11: {  	s19 =	simm.s32 $0x900;
	s21 =	simm.s32 $0x980;
	s22 =	simm.s32 $0x1180  }
0x12: {  	s23 =	simm.s32 $0xA00;
	s24 =	simm.s32 $0x1200;
	s25 =	simm.s32 $0xA80  }
0x13: {  	s26 =	simm.s32 $0x1280;
	s4 =	sadd.s32 s6, s4;
	s2 =	ssub.s32 s2, s20  }
0x14: {  	s6 =	simm.s32 $0x80;
	s20 =	simm.s32 $0x1100;
	s4 =	sadd.s32 $0x600, s4  }
0x15: {  	s31 =	sadd.s32 $0x186A0, s30;
	v0 =	vmov s30;
	s30 =	simm.s32 $0xB80;
	[dreg:$0x5] =	wrdreg s4  }
0x16: {  	s4 =	smax.u32 s2, $0x1;
	v1 =	vmov s31;
	s31 =	simm.s32 $0x1380;
	s2 =	simm.s32 $0x1  }
.LBB2_1:
0x17: {  	s0 =	rddreg [dreg:$0x4]  }
0x18: {  	[tilespmem:s3], [sflag:$0x2] =	stream.linear.gather [hbm4b:s0+s3], $0x400, $0x38;
	[tilespmem:$0x1400] =	vst v63  }
0x19: {  	_ =	swait.ge [sflag:s5], $0x400  }
0x1a: {  	[sflag:s5] =	ssyncset.done $0x0  }
0x1b: {  	[sflag:s5] =	ssyncadd.s32 $0xFFFFFC00  }
0x1c: {  	v2 =	vld [tilespmem:$0x0]  }
0x1d: {  	v3 =	vld [tilespmem:$0x10]  }
0x1e: {  	v4 =	vld [tilespmem:$0x20]  }
0x1f: {  	v5 =	vld [tilespmem:$0x30]  }
0x20: {  	v6 =	vld [tilespmem:$0x40]  }
0x21: {  	v7 =	vld [tilespmem:$0x50];
	v2 =	vadd.s32 v0, v2  }
0x22: {  	[tilespmem:$0x400] =	vst v2;
	v2 =	vadd.s32 v0, v3;
	v3 =	vld [tilespmem:$0x60]  }
0x23: {  	v22 =	vld [tilespmem:$0x70];
	[tilespmem:$0x410] =	vst v2;
	v2 =	vadd.s32 v0, v4  }
0x24: {  	v23 =	vld [tilespmem:$0x80];
	[tilespmem:$0x420] =	vst v2;
	v2 =	vadd.s32 v0, v5  }
0x25: {  	v24 =	vld [tilespmem:$0x90];
	[tilespmem:$0x430] =	vst v2;
	v2 =	vadd.s32 v0, v6  }
0x26: {  	v25 =	vld [tilespmem:$0xA0];
	[tilespmem:$0x440] =	vst v2;
	v2 =	vadd.s32 v0, v7  }
0x27: {  	[tilespmem:$0x450] =	vst v2;
	v2 =	vadd.s32 v0, v3;
	v3 =	vld [tilespmem:$0xB0]  }
0x28: {  	v26 =	vld [tilespmem:$0xC0];
	[tilespmem:$0x460] =	vst v2;
	v2 =	vadd.s32 v0, v22  }
0x29: {  	v27 =	vld [tilespmem:$0xD0];
	[tilespmem:$0x470] =	vst v2;
	v2 =	vadd.s32 v0, v23  }
0x2a: {  	v28 =	vld [tilespmem:$0xE0];
	[tilespmem:$0x480] =	vst v2;
	v2 =	vadd.s32 v0, v24  }
0x2b: {  	v29 =	vld [tilespmem:$0xF0];
	[tilespmem:$0x490] =	vst v2;
	v2 =	vadd.s32 v0, v25  }
0x2c: {  	[tilespmem:$0x4A0] =	vst v2;
	v2 =	vadd.s32 v0, v3;
	v3 =	vld [tilespmem:$0x100]  }
0x2d: {  	v30 =	vld [tilespmem:$0x110];
	[tilespmem:$0x4B0] =	vst v2;
	v2 =	vadd.s32 v0, v26  }
0x2e: {  	v31 =	vld [tilespmem:$0x120];
	[tilespmem:$0x4C0] =	vst v2;
	v2 =	vadd.s32 v0, v27  }
0x2f: {  	v32 =	vld [tilespmem:$0x130];
	[tilespmem:$0x4D0] =	vst v2;
	v2 =	vadd.s32 v0, v28  }
0x30: {  	v33 =	vld [tilespmem:$0x140];
	[tilespmem:$0x4E0] =	vst v2;
	v2 =	vadd.s32 v0, v29  }
0x31: {  	[tilespmem:$0x4F0] =	vst v2;
	v2 =	vadd.s32 v0, v3;
	v3 =	vld [tilespmem:$0x150]  }
0x32: {  	v34 =	vld [tilespmem:$0x160];
	[tilespmem:$0x500] =	vst v2;
	v2 =	vadd.s32 v0, v30  }
0x33: {  	v35 =	vld [tilespmem:$0x170];
	[tilespmem:$0x510] =	vst v2;
	v2 =	vadd.s32 v0, v31  }
0x34: {  	v36 =	vld [tilespmem:$0x180];
	[tilespmem:$0x520] =	vst v2;
	v2 =	vadd.s32 v0, v32  }
0x35: {  	v37 =	vld [tilespmem:$0x190];
	[tilespmem:$0x530] =	vst v2;
	v2 =	vadd.s32 v0, v33  }
0x36: {  	[tilespmem:$0x540] =	vst v2;
	v2 =	vadd.s32 v0, v3;
	v3 =	vld [tilespmem:$0x1A0]  }
0x37: {  	v38 =	vld [tilespmem:$0x1B0];
	[tilespmem:$0x550] =	vst v2;
	v2 =	vadd.s32 v0, v34  }
0x38: {  	v39 =	vld [tilespmem:$0x1C0];
	[tilespmem:$0x560] =	vst v2;
	v2 =	vadd.s32 v0, v35  }
0x39: {  	v40 =	vld [tilespmem:$0x1D0];
	[tilespmem:$0x570] =	vst v2;
	v2 =	vadd.s32 v0, v36  }
0x3a: {  	v41 =	vld [tilespmem:$0x1E0];
	[tilespmem:$0x580] =	vst v2;
	v2 =	vadd.s32 v0, v37  }
0x3b: {  	[tilespmem:$0x590] =	vst v2;
	v2 =	vadd.s32 v0, v3;
	v3 =	vld [tilespmem:$0x1F0]  }
0x3c: {  	v42 =	vld [tilespmem:$0x200];
	[tilespmem:$0x5A0] =	vst v2;
	v2 =	vadd.s32 v0, v38  }
0x3d: {  	v43 =	vld [tilespmem:$0x210];
	[tilespmem:$0x5B0] =	vst v2;
	v2 =	vadd.s32 v0, v39  }
0x3e: {  	v44 =	vld [tilespmem:$0x220];
	[tilespmem:$0x5C0] =	vst v2;
	v2 =	vadd.s32 v0, v40  }
0x3f: {  	v45 =	vld [tilespmem:$0x230];
	[tilespmem:$0x5D0] =	vst v2;
	v2 =	vadd.s32 v0, v41  }
0x40: {  	[tilespmem:$0x5E0] =	vst v2;
	v2 =	vadd.s32 v0, v3;
	v3 =	vld [tilespmem:$0x240]  }
0x41: {  	v46 =	vld [tilespmem:$0x250];
	[tilespmem:$0x5F0] =	vst v2;
	v2 =	vadd.s32 v0, v42  }
0x42: {  	v47 =	vld [tilespmem:$0x260];
	[tilespmem:$0x600] =	vst v2;
	v2 =	vadd.s32 v0, v43  }
0x43: {  	v48 =	vld [tilespmem:$0x270];
	[tilespmem:$0x610] =	vst v2;
	v2 =	vadd.s32 v0, v44  }
0x44: {  	v49 =	vld [tilespmem:$0x280];
	[tilespmem:$0x620] =	vst v2;
	v2 =	vadd.s32 v0, v45  }
0x45: {  	[tilespmem:$0x630] =	vst v2;
	v2 =	vadd.s32 v0, v3;
	v3 =	vld [tilespmem:$0x290]  }
0x46: {  	v50 =	vld [tilespmem:$0x2A0];
	[tilespmem:$0x640] =	vst v2;
	v2 =	vadd.s32 v0, v46  }
0x47: {  	v51 =	vld [tilespmem:$0x2B0];
	[tilespmem:$0x650] =	vst v2;
	v2 =	vadd.s32 v0, v47  }
0x48: {  	v52 =	vld [tilespmem:$0x2C0];
	[tilespmem:$0x660] =	vst v2;
	v2 =	vadd.s32 v0, v48  }
0x49: {  	v53 =	vld [tilespmem:$0x2D0];
	[tilespmem:$0x670] =	vst v2;
	v2 =	vadd.s32 v0, v49  }
0x4a: {  	[tilespmem:$0x680] =	vst v2;
	v2 =	vadd.s32 v0, v3;
	v3 =	vld [tilespmem:$0x2E0]  }
0x4b: {  	v54 =	vld [tilespmem:$0x2F0];
	[tilespmem:$0x690] =	vst v2;
	v2 =	vadd.s32 v0, v50  }
0x4c: {  	v55 =	vld [tilespmem:$0x300];
	[tilespmem:$0x6A0] =	vst v2;
	v2 =	vadd.s32 v0, v51  }
0x4d: {  	v56 =	vld [tilespmem:$0x310];
	[tilespmem:$0x6B0] =	vst v2;
	v2 =	vadd.s32 v0, v52  }
0x4e: {  	v57 =	vld [tilespmem:$0x320];
	[tilespmem:$0x6C0] =	vst v2;
	v2 =	vadd.s32 v0, v53  }
0x4f: {  	[tilespmem:$0x6D0] =	vst v2;
	v2 =	vadd.s32 v0, v3;
	v3 =	vld [tilespmem:$0x330]  }
0x50: {  	v58 =	vld [tilespmem:$0x340];
	[tilespmem:$0x6E0] =	vst v2;
	v2 =	vadd.s32 v0, v54  }
0x51: {  	v59 =	vld [tilespmem:$0x350];
	[tilespmem:$0x6F0] =	vst v2;
	v2 =	vadd.s32 v0, v55  }
0x52: {  	v60 =	vld [tilespmem:$0x360];
	[tilespmem:$0x700] =	vst v2;
	v2 =	vadd.s32 v0, v56  }
0x53: {  	v61 =	vld [tilespmem:$0x370];
	[tilespmem:$0x710] =	vst v2;
	v2 =	vadd.s32 v0, v57  }
0x54: {  	[tilespmem:$0x720] =	vst v2;
	v2 =	vadd.s32 v0, v3;
	v3 =	vld [tilespmem:$0x380]  }
0x55: {  	v62 =	vld [tilespmem:$0x390];
	[tilespmem:$0x730] =	vst v2;
	v2 =	vadd.s32 v0, v58  }
0x56: {  	v63 =	vld [tilespmem:$0x3A0];
	[tilespmem:$0x740] =	vst v2;
	v2 =	vadd.s32 v0, v59  }
0x57: {  	v9 =	vld [tilespmem:$0x3B0];
	[tilespmem:$0x750] =	vst v2;
	v2 =	vadd.s32 v0, v60  }
0x58: {  	v10 =	vld [tilespmem:$0x3C0];
	[tilespmem:$0x760] =	vst v2;
	v2 =	vadd.s32 v0, v61  }
0x59: {  	[tilespmem:$0x770] =	vst v2;
	v2 =	vadd.s32 v0, v3;
	v3 =	vld [tilespmem:$0x3D0]  }
0x5a: {  	v11 =	vld [tilespmem:$0x3E0];
	[tilespmem:$0x780] =	vst v2;
	v2 =	vadd.s32 v0, v62  }
0x5b: {  	v12 =	vld [tilespmem:$0x3F0];
	[tilespmem:$0x790] =	vst v2;
	v2 =	vadd.s32 v0, v63  }
0x5c: {  	v13 =	vld [tilespmem:$0x0];
	[tilespmem:$0x7A0] =	vst v2;
	v2 =	vadd.s32 v0, v9  }
0x5d: {  	v14 =	vld [tilespmem:$0x10];
	[tilespmem:$0x7B0] =	vst v2;
	v2 =	vadd.s32 v0, v10  }
0x5e: {  	[tilespmem:$0x7C0] =	vst v2;
	v2 =	vadd.s32 v0, v3;
	v3 =	vld [tilespmem:$0x20]  }
0x5f: {  	v15 =	vld [tilespmem:$0x30];
	[tilespmem:$0x7D0] =	vst v2;
	v2 =	vadd.s32 v0, v11  }
0x60: {  	v16 =	vld [tilespmem:$0x40];
	[tilespmem:$0x7E0] =	vst v2;
	v2 =	vadd.s32 v0, v12  }
0x61: {  	v17 =	vld [tilespmem:$0x50];
	[tilespmem:$0x7F0] =	vst v2;
	v2 =	vadd.s32 v1, v13  }
0x62: {  	v18 =	vld [tilespmem:$0x60];
	[tilespmem:$0x800] =	vst v2;
	v2 =	vadd.s32 v1, v14  }
0x63: {  	[tilespmem:$0x810] =	vst v2;
	v2 =	vadd.s32 v1, v3;
	v3 =	vld [tilespmem:$0x70]  }
0x64: {  	v19 =	vld [tilespmem:$0x80];
	[tilespmem:$0x820] =	vst v2;
	v2 =	vadd.s32 v1, v15  }
0x65: {  	v20 =	vld [tilespmem:$0x90];
	[tilespmem:$0x830] =	vst v2;
	v2 =	vadd.s32 v1, v16  }
0x66: {  	v21 =	vld [tilespmem:$0xA0];
	[tilespmem:$0x840] =	vst v2;
	v2 =	vadd.s32 v1, v17  }
0x67: {  	v22 =	vld [tilespmem:$0xB0];
	[tilespmem:$0x850] =	vst v2;
	v2 =	vadd.s32 v1, v18  }
0x68: {  	[tilespmem:$0x860] =	vst v2;
	v2 =	vadd.s32 v1, v3;
	v3 =	vld [tilespmem:$0xC0]  }
0x69: {  	v23 =	vld [tilespmem:$0xD0];
	[tilespmem:$0x870] =	vst v2;
	v2 =	vadd.s32 v1, v19  }
0x6a: {  	v24 =	vld [tilespmem:$0xE0];
	[tilespmem:$0x880] =	vst v2;
	v2 =	vadd.s32 v1, v20  }
0x6b: {  	v25 =	vld [tilespmem:$0xF0];
	[tilespmem:$0x890] =	vst v2;
	v2 =	vadd.s32 v1, v21  }
0x6c: {  	v26 =	vld [tilespmem:$0x100];
	[tilespmem:$0x8A0] =	vst v2;
	v2 =	vadd.s32 v1, v22  }
0x6d: {  	[tilespmem:$0x8B0] =	vst v2;
	v2 =	vadd.s32 v1, v3;
	v3 =	vld [tilespmem:$0x110]  }
0x6e: {  	v27 =	vld [tilespmem:$0x120];
	[tilespmem:$0x8C0] =	vst v2;
	v2 =	vadd.s32 v1, v23  }
0x6f: {  	v28 =	vld [tilespmem:$0x130];
	[tilespmem:$0x8D0] =	vst v2;
	v2 =	vadd.s32 v1, v24  }
0x70: {  	v29 =	vld [tilespmem:$0x140];
	[tilespmem:$0x8E0] =	vst v2;
	v2 =	vadd.s32 v1, v25  }
0x71: {  	v30 =	vld [tilespmem:$0x150];
	[tilespmem:$0x8F0] =	vst v2;
	v2 =	vadd.s32 v1, v26  }
0x72: {  	[tilespmem:$0x900] =	vst v2;
	v2 =	vadd.s32 v1, v3;
	v3 =	vld [tilespmem:$0x160]  }
0x73: {  	v31 =	vld [tilespmem:$0x170];
	[tilespmem:$0x910] =	vst v2;
	v2 =	vadd.s32 v1, v27  }
0x74: {  	v32 =	vld [tilespmem:$0x180];
	[tilespmem:$0x920] =	vst v2;
	v2 =	vadd.s32 v1, v28  }
0x75: {  	v33 =	vld [tilespmem:$0x190];
	[tilespmem:$0x930] =	vst v2;
	v2 =	vadd.s32 v1, v29  }
0x76: {  	v34 =	vld [tilespmem:$0x1A0];
	[tilespmem:$0x940] =	vst v2;
	v2 =	vadd.s32 v1, v30  }
0x77: {  	[tilespmem:$0x950] =	vst v2;
	v2 =	vadd.s32 v1, v3;
	v3 =	vld [tilespmem:$0x1B0]  }
0x78: {  	v35 =	vld [tilespmem:$0x1C0];
	[tilespmem:$0x960] =	vst v2;
	v2 =	vadd.s32 v1, v31  }
0x79: {  	v36 =	vld [tilespmem:$0x1D0];
	[tilespmem:$0x970] =	vst v2;
	v2 =	vadd.s32 v1, v32  }
0x7a: {  	v37 =	vld [tilespmem:$0x1E0];
	[tilespmem:$0x980] =	vst v2;
	v2 =	vadd.s32 v1, v33  }
0x7b: {  	v38 =	vld [tilespmem:$0x1F0];
	[tilespmem:$0x990] =	vst v2;
	v2 =	vadd.s32 v1, v34  }
0x7c: {  	[tilespmem:$0x9A0] =	vst v2;
	v2 =	vadd.s32 v1, v3;
	v3 =	vld [tilespmem:$0x200]  }
0x7d: {  	v39 =	vld [tilespmem:$0x210];
	[tilespmem:$0x9B0] =	vst v2;
	v2 =	vadd.s32 v1, v35  }
0x7e: {  	v40 =	vld [tilespmem:$0x220];
	[tilespmem:$0x9C0] =	vst v2;
	v2 =	vadd.s32 v1, v36  }
0x7f: {  	v41 =	vld [tilespmem:$0x230];
	[tilespmem:$0x9D0] =	vst v2;
	v2 =	vadd.s32 v1, v37  }
0x80: {  	v42 =	vld [tilespmem:$0x240];
	[tilespmem:$0x9E0] =	vst v2;
	v2 =	vadd.s32 v1, v38  }
0x81: {  	[tilespmem:$0x9F0] =	vst v2;
	v2 =	vadd.s32 v1, v3;
	v3 =	vld [tilespmem:$0x250]  }
0x82: {  	v43 =	vld [tilespmem:$0x260];
	[tilespmem:$0xA00] =	vst v2;
	v2 =	vadd.s32 v1, v39  }
0x83: {  	v44 =	vld [tilespmem:$0x270];
	[tilespmem:$0xA10] =	vst v2;
	v2 =	vadd.s32 v1, v40  }
0x84: {  	v45 =	vld [tilespmem:$0x280];
	[tilespmem:$0xA20] =	vst v2;
	v2 =	vadd.s32 v1, v41  }
0x85: {  	v46 =	vld [tilespmem:$0x290];
	[tilespmem:$0xA30] =	vst v2;
	v2 =	vadd.s32 v1, v42  }
0x86: {  	[tilespmem:$0xA40] =	vst v2;
	v2 =	vadd.s32 v1, v3;
	v3 =	vld [tilespmem:$0x2A0]  }
0x87: {  	v47 =	vld [tilespmem:$0x2B0];
	[tilespmem:$0xA50] =	vst v2;
	v2 =	vadd.s32 v1, v43  }
0x88: {  	v48 =	vld [tilespmem:$0x2C0];
	[tilespmem:$0xA60] =	vst v2;
	v2 =	vadd.s32 v1, v44  }
0x89: {  	v49 =	vld [tilespmem:$0x2D0];
	[tilespmem:$0xA70] =	vst v2;
	v2 =	vadd.s32 v1, v45  }
0x8a: {  	v50 =	vld [tilespmem:$0x2E0];
	[tilespmem:$0xA80] =	vst v2;
	v2 =	vadd.s32 v1, v46  }
0x8b: {  	[tilespmem:$0xA90] =	vst v2;
	v2 =	vadd.s32 v1, v3;
	v3 =	vld [tilespmem:$0x2F0]  }
0x8c: {  	v51 =	vld [tilespmem:$0x300];
	[tilespmem:$0xAA0] =	vst v2;
	v2 =	vadd.s32 v1, v47  }
0x8d: {  	v52 =	vld [tilespmem:$0x310];
	[tilespmem:$0xAB0] =	vst v2;
	v2 =	vadd.s32 v1, v48  }
0x8e: {  	v53 =	vld [tilespmem:$0x320];
	[tilespmem:$0xAC0] =	vst v2;
	v2 =	vadd.s32 v1, v49  }
0x8f: {  	v54 =	vld [tilespmem:$0x330];
	[tilespmem:$0xAD0] =	vst v2;
	v2 =	vadd.s32 v1, v50  }
0x90: {  	[tilespmem:$0xAE0] =	vst v2;
	v2 =	vadd.s32 v1, v3;
	v3 =	vld [tilespmem:$0x340]  }
0x91: {  	v55 =	vld [tilespmem:$0x350];
	[tilespmem:$0xAF0] =	vst v2;
	v2 =	vadd.s32 v1, v51  }
0x92: {  	v56 =	vld [tilespmem:$0x360];
	[tilespmem:$0xB00] =	vst v2;
	v2 =	vadd.s32 v1, v52  }
0x93: {  	v57 =	vld [tilespmem:$0x370];
	[tilespmem:$0xB10] =	vst v2;
	v2 =	vadd.s32 v1, v53  }
0x94: {  	v58 =	vld [tilespmem:$0x380];
	[tilespmem:$0xB20] =	vst v2;
	v2 =	vadd.s32 v1, v54  }
0x95: {  	[tilespmem:$0xB30] =	vst v2;
	v2 =	vadd.s32 v1, v3;
	v3 =	vld [tilespmem:$0x390]  }
0x96: {  	v59 =	vld [tilespmem:$0x3A0];
	[tilespmem:$0xB40] =	vst v2;
	v2 =	vadd.s32 v1, v55  }
0x97: {  	v60 =	vld [tilespmem:$0x3B0];
	[tilespmem:$0xB50] =	vst v2;
	v2 =	vadd.s32 v1, v56  }
0x98: {  	v61 =	vld [tilespmem:$0x3C0];
	[tilespmem:$0xB60] =	vst v2;
	v2 =	vadd.s32 v1, v57  }
0x99: {  	v62 =	vld [tilespmem:$0x3D0];
	[tilespmem:$0xB70] =	vst v2;
	v2 =	vadd.s32 v1, v58  }
0x9a: {  	[tilespmem:$0xB80] =	vst v2;
	v2 =	vadd.s32 v1, v3;
	v3 =	vld [tilespmem:$0x3E0]  }
0x9b: {  	v63 =	vld [tilespmem:$0x3F0];
	[tilespmem:$0xB90] =	vst v2;
	v2 =	vadd.s32 v1, v59  }
0x9c: {  	[tilespmem:$0xBA0] =	vst v2;
	v2 =	vadd.s32 v1, v60  }
0x9d: {  	[tilespmem:$0xBB0] =	vst v2;
	v2 =	vadd.s32 v1, v61  }
0x9e: {  	s10 =	rddreg [dreg:$0x6];
	[tilespmem:$0xBC0] =	vst v2;
	v2 =	vadd.s32 v1, v62  }
0x9f: {  	s8 =	rddreg [dreg:$0x7];
	[tilespmem:$0xBD0] =	vst v2;
	v2 =	vadd.s32 v1, v3  }
0xa0: {  	s9 =	rddreg [dreg:$0x8];
	[tilespmem:$0xBE0] =	vst v2;
	v2 =	vadd.s32 v1, v63  }
0xa1: {  	s0 =	rddreg [dreg:$0x9];
	[tilespmem:$0xBF0] =	vst v2  }
0xa2: {  	[tilespmem:s7], [sflag:$0x1] =	stream.indirect.gather [hbm4b:s1+s6], $0x1, s10, s6, $0xb8;
	[tilespmem:$0x1400] =	vst v63  }
0xa3: {  	s10 =	rddreg [dreg:$0xc]  }
0xa4: {  	[tilespmem:s9], [sflag:$0x1] =	stream.indirect.gather [hbm4b:s1+s6], $0x1, s8, s6, $0xb8;
	[tilespmem:$0x1400] =	vst v63  }
0xa5: {  	s8 =	rddreg [dreg:$0xa]  }
0xa6: {  	[tilespmem:s8], [sflag:$0x1] =	stream.indirect.gather [hbm4b:s1+s6], $0x1, s0, s6, $0xb8;
	[tilespmem:$0x1400] =	vst v63  }
0xa7: {  	s9 =	rddreg [dreg:$0xb]  }
0xa8: {  	[tilespmem:s10], [sflag:$0x1] =	stream.indirect.gather [hbm4b:s1+s6], $0x1, s9, s6, $0xb8;
	[tilespmem:$0x1400] =	vst v63  }
0xa9: {  	s8 =	rddreg [dreg:$0xd];
	s10 =	simm.s32 $0xE00  }
0xaa: {  	[tilespmem:s10], [sflag:$0x1] =	stream.indirect.gather [hbm4b:s1+s6], $0x1, s8, s6, $0xb8;
	[tilespmem:$0x1400] =	vst v63  }
0xab: {  	s9 =	simm.s32 $0xE80;
	s8 =	simm.s32 $0x680  }
0xac: {  	[tilespmem:s9], [sflag:$0x1] =	stream.indirect.gather [hbm4b:s1+s6], $0x1, s8, s6, $0xb8;
	[tilespmem:$0x1400] =	vst v63  }
0xad: {  	_ = 	snop  }
0xae: {  	[tilespmem:s12], [sflag:$0x1] =	stream.indirect.gather [hbm4b:s1+s6], $0x1, s11, s6, $0xb8;
	[tilespmem:$0x1400] =	vst v63  }
0xaf: {  	_ = 	snop  }
0xb0: {  	[tilespmem:s14], [sflag:$0x1] =	stream.indirect.gather [hbm4b:s1+s6], $0x1, s13, s6, $0xb8;
	[tilespmem:$0x1400] =	vst v63  }
0xb1: {  	_ = 	snop  }
0xb2: {  	[tilespmem:s16], [sflag:$0x1] =	stream.indirect.gather [hbm4b:s1+s6], $0x1, s15, s6, $0xb8;
	[tilespmem:$0x1400] =	vst v63  }
0xb3: {  	_ = 	snop  }
0xb4: {  	[tilespmem:s18], [sflag:$0x1] =	stream.indirect.gather [hbm4b:s1+s6], $0x1, s17, s6, $0xb8;
	[tilespmem:$0x1400] =	vst v63  }
0xb5: {  	_ = 	snop  }
0xb6: {  	[tilespmem:s20], [sflag:$0x1] =	stream.indirect.gather [hbm4b:s1+s6], $0x1, s19, s6, $0xb8;
	[tilespmem:$0x1400] =	vst v63  }
0xb7: {  	_ = 	snop  }
0xb8: {  	[tilespmem:s22], [sflag:$0x1] =	stream.indirect.gather [hbm4b:s1+s6], $0x1, s21, s6, $0xb8;
	[tilespmem:$0x1400] =	vst v63  }
0xb9: {  	_ = 	snop  }
0xba: {  	[tilespmem:s24], [sflag:$0x1] =	stream.indirect.gather [hbm4b:s1+s6], $0x1, s23, s6, $0xb8;
	[tilespmem:$0x1400] =	vst v63  }
0xbb: {  	_ = 	snop  }
0xbc: {  	[tilespmem:s26], [sflag:$0x1] =	stream.indirect.gather [hbm4b:s1+s6], $0x1, s25, s6, $0xb8;
	[tilespmem:$0x1400] =	vst v63  }
0xbd: {  	_ = 	snop  }
0xbe: {  	[tilespmem:s29], [sflag:$0x1] =	stream.indirect.gather [hbm4b:s1+s6], $0x1, s28, s6, $0xb8;
	[tilespmem:$0x1400] =	vst v63  }
0xbf: {  	_ = 	snop  }
0xc0: {  	[tilespmem:s31], [sflag:$0x1] =	stream.indirect.gather [hbm4b:s1+s6], $0x1, s30, s6, $0xb8;
	[tilespmem:$0x1400] =	vst v63  }
0xc1: {  	_ =	swait.ge [sflag:s2], $0x80  }
0xc2: {  	[sflag:s2] =	ssyncset.done $0x0  }
0xc3: {  	[sflag:s2] =	ssyncadd.s32 $0xFFFFFF80  }
0xc4: {  	_ =	swait.ge [sflag:s2], $0x80  }
0xc5: {  	[sflag:s2] =	ssyncset.done $0x0  }
0xc6: {  	[sflag:s2] =	ssyncadd.s32 $0xFFFFFF80  }
0xc7: {  	_ =	swait.ge [sflag:s2], $0x80  }
0xc8: {  	[sflag:s2] =	ssyncset.done $0x0  }
0xc9: {  	[sflag:s2] =	ssyncadd.s32 $0xFFFFFF80  }
0xca: {  	_ =	swait.ge [sflag:s2], $0x80  }
0xcb: {  	[sflag:s2] =	ssyncset.done $0x0  }
0xcc: {  	[sflag:s2] =	ssyncadd.s32 $0xFFFFFF80  }
0xcd: {  	_ =	swait.ge [sflag:s2], $0x80  }
0xce: {  	[sflag:s2] =	ssyncset.done $0x0  }
0xcf: {  	[sflag:s2] =	ssyncadd.s32 $0xFFFFFF80  }
0xd0: {  	_ =	swait.ge [sflag:s2], $0x80  }
0xd1: {  	[sflag:s2] =	ssyncset.done $0x0  }
0xd2: {  	[sflag:s2] =	ssyncadd.s32 $0xFFFFFF80  }
0xd3: {  	_ =	swait.ge [sflag:s2], $0x80  }
0xd4: {  	[sflag:s2] =	ssyncset.done $0x0  }
0xd5: {  	[sflag:s2] =	ssyncadd.s32 $0xFFFFFF80  }
0xd6: {  	_ =	swait.ge [sflag:s2], $0x80  }
0xd7: {  	[sflag:s2] =	ssyncset.done $0x0  }
0xd8: {  	[sflag:s2] =	ssyncadd.s32 $0xFFFFFF80  }
0xd9: {  	_ =	swait.ge [sflag:s2], $0x80  }
0xda: {  	[sflag:s2] =	ssyncset.done $0x0  }
0xdb: {  	[sflag:s2] =	ssyncadd.s32 $0xFFFFFF80  }
0xdc: {  	_ =	swait.ge [sflag:s2], $0x80  }
0xdd: {  	[sflag:s2] =	ssyncset.done $0x0  }
0xde: {  	[sflag:s2] =	ssyncadd.s32 $0xFFFFFF80  }
0xdf: {  	_ =	swait.ge [sflag:s2], $0x80  }
0xe0: {  	[sflag:s2] =	ssyncset.done $0x0  }
0xe1: {  	[sflag:s2] =	ssyncadd.s32 $0xFFFFFF80  }
0xe2: {  	_ =	swait.ge [sflag:s2], $0x80  }
0xe3: {  	[sflag:s2] =	ssyncset.done $0x0  }
0xe4: {  	[sflag:s2] =	ssyncadd.s32 $0xFFFFFF80  }
0xe5: {  	_ =	swait.ge [sflag:s2], $0x80  }
0xe6: {  	[sflag:s2] =	ssyncset.done $0x0  }
0xe7: {  	[sflag:s2] =	ssyncadd.s32 $0xFFFFFF80  }
0xe8: {  	_ =	swait.ge [sflag:s2], $0x80  }
0xe9: {  	[sflag:s2] =	ssyncset.done $0x0  }
0xea: {  	[sflag:s2] =	ssyncadd.s32 $0xFFFFFF80  }
0xeb: {  	_ =	swait.ge [sflag:s2], $0x80  }
0xec: {  	[sflag:s2] =	ssyncset.done $0x0  }
0xed: {  	[sflag:s2] =	ssyncadd.s32 $0xFFFFFF80  }
0xee: {  	_ =	swait.ge [sflag:s2], $0x80  }
0xef: {  	p0 =	sne.s32 s4, $0x1;
	[sflag:s2] =	ssyncset.done $0x0  }
.Ltmp0:
0xf0: {  	s10 =	rddreg [dreg:$0x5];
	[sflag:s2] =	ssyncadd.s32 $0xFFFFFF80;
	(pc) =	sbr.rel @p0 .LBB2_1-.Ltmp0, $4  }
0xf1: {  	[hbm4b:s10+s3] =	stream.linear.scatter [tilespmem:s7], [sflag:$0x2], $0x800, $0x38;
	[tilespmem:$0x1400] =	vst v63  }
0xf2: {  	_ =	swait.ge [sflag:s5], $0x800  }
0xf3: {  	[sflag:s5] =	ssyncset.done $0x0  }
0xf4: {  	s4 =	sadd.s32 $0xFFFFFFFF, s4;
	[sflag:s5] =	ssyncadd.s32 $0xFFFFF800  }
0xf5: {  	_ =	sfence.sel $0x180000  }
0xf6: {  	[bflag:$0x0] =	sbarrier.arrive $0xFFFF  }
0xf7: {  	_ =	strace $0x90000047  }
0xf8: {  	s0 =	stileid.u32;
	[bflag:$0x2] =	sbarrier.arrive $0xFFFF  }
0xf9: {  	p0 =	sne.s32 s0, $0x0;
	s0 =	rddreg [dreg:$0x3]  }
0xfa: {  	s0 =	sadd.s32 @!p0 $0x100000, s0  }
0xfb: {  	[sflag:s0] =	ssyncadd.tile.s32 @!p0 $0x1;
	_ =	shalt  }
.Lfunc_end2:
_tile_overlayer_lowered:
.L_overlay_start_2:
0xfc: {  	(tag) =	ssettag $0x2  }
0xfd: {  	s0 =	rddreg [dreg:$0x0];
	s2 =	stileid.u32  }
0xfe: {  	s1 =	rddreg [dreg:$0x1];
	p0 =	sne.s32 s2, $0x0  }
0xff: {  	s3 =	rddreg [dreg:$0x2];
	[bflag:$0x3] =	sbarrier.arrive $0xFFFF;
	s2 =	simm.s32 @!p0 $0x1C02  }
0x100: {  	[timem:s3], [sflag:s2] =	dma.local @!p0 [hbm:s0], s1  }
0x101: {  	s0 =	simm.s32 @!p0 $0x2  }
0x102: {  	_ =	swait.ge @!p0 [sflag:s0], s1  }
0x103: {  	s1 =	ssub.s32 @!p0 $0x0, s1;
	[sflag:s0] =	ssyncset.done @!p0 $0x0  }
0x104: {  	[sflag:s0] =	ssyncadd.s32 @!p0 s1  }
0x105: {  	[bflag:$0x3] =	sbarrier.arrive $0xFFFF  }
0x106: {  	_ =	shalt  }

</sc_bundles>
